<compile_context>
chip_gen: v7x
topology: tpu7x:2x2x1
jax: 0.10.2.dev20260603
libtpu: 0.0.44.dev20260713+nightly
codegen_flags: <defaults>
</compile_context>

<pallas_src>
import functools

import jax
import jax.numpy as jnp
from jax import lax
from jax.experimental import pallas as pl
from jax.experimental.pallas import tpu as pltpu
from jax.experimental.pallas import tpu_sc as plsc


def _sc_segment_sum(n_pad, d, nw, n_rows, r8, cap, k):
    mesh = plsc.VectorSubcoreMesh(core_axis_name="c", subcore_axis_name="s")
    rows_per_sub = n_pad // 16

    @functools.partial(
        pl.kernel,
        out_type=[
            jax.ShapeDtypeStruct((n_pad, d), jnp.float32),
            jax.ShapeDtypeStruct((n_pad, d), jnp.float32),
            jax.ShapeDtypeStruct((n_pad,), jnp.float32),
            jax.ShapeDtypeStruct((n_pad,), jnp.float32),
        ],
        mesh=mesh,
        scratch_types=[
            pltpu.VMEM((cap, k), jnp.int32),
            pltpu.VMEM((cap, k), jnp.int32),
            pltpu.VMEM((2, k, d), jnp.float32),
            pltpu.VMEM((128,), jnp.float32),
            pltpu.VMEM_SHARED((n_pad, d), jnp.float32),
            pltpu.VMEM_SHARED((n_pad,), jnp.float32),
            pltpu.SemaphoreType.DMA((2,)),
            pltpu.SemaphoreType.DMA,
        ],
    )
    def sc_kernel(ei_hbm, table_hbm,
                  psum0, psum1, pcnt0, pcnt1,
                  src_v, dst_v, rows_v, ones_v, acc_s, cnt_s, semg, semc):
        cid = lax.axis_index("c")
        sid = lax.axis_index("s")
        wid = sid * 2 + cid

        base = (wid * n_rows) // nw
        nxt = ((wid + 1) * n_rows) // nw
        n_w = nxt - base
        sb = jnp.minimum((base // 8) * 8, r8 - cap)
        sb = pl.multiple_of(sb, 8)
        off = base - sb

        zeros16 = jnp.zeros((16,), jnp.float32)
        ones16 = jnp.ones((16,), jnp.float32)

        def zero_row(i, _):
            for j in range(d // 16):
                rows_v[0, i, pl.ds(j * 16, 16)] = zeros16
            return _

        zc = min(64, k)
        lax.fori_loop(0, zc, zero_row, None)
        for j in range(128 // 16):
            ones_v[pl.ds(j * 16, 16)] = ones16

        zbase = sid * rows_per_sub
        for j in range(rows_per_sub // zc):
            pltpu.async_copy(rows_v.at[0, pl.ds(0, zc)],
                             acc_s.at[pl.ds(zbase + j * zc, zc)], semc)
        for j in range(rows_per_sub // d):
            pltpu.async_copy(rows_v.at[0, 0],
                             cnt_s.at[pl.ds(zbase + j * d, d)], semc)

        pltpu.async_copy(ei_hbm.at[0, 0, pl.ds(sb, cap)], src_v, semg.at[0])
        pltpu.async_copy(ei_hbm.at[0, 1, pl.ds(sb, cap)], dst_v, semg.at[1])

        for j in range(rows_per_sub // zc):
            pltpu.make_async_copy(
                rows_v.at[0, pl.ds(0, zc)],
                acc_s.at[pl.ds(zbase + j * zc, zc)], semc).wait()
        for j in range(rows_per_sub // d):
            pltpu.make_async_copy(
                rows_v.at[0, 0],
                cnt_s.at[pl.ds(zbase + j * d, d)], semc).wait()
        pltpu.make_async_copy(
            ei_hbm.at[0, 0, pl.ds(sb, cap)], src_v, semg.at[0]).wait()
        pltpu.make_async_copy(
            ei_hbm.at[0, 1, pl.ds(sb, cap)], dst_v, semg.at[1]).wait()

        pltpu.async_copy(table_hbm.at[src_v.at[off]], rows_v.at[0],
                         semg.at[0])

        plsc.subcore_barrier()

        def chunk(j, _):
            b = lax.rem(j, 2)
            pltpu.make_async_copy(
                table_hbm.at[src_v.at[off + j]], rows_v.at[b],
                semg.at[b]).wait()

            @pl.when(j + 1 < n_w)
            def _():
                jn = jnp.minimum(off + j + 1, cap - 1)
                pltpu.async_copy(table_hbm.at[src_v.at[jn]],
                                 rows_v.at[1 - b], semg.at[1 - b])

            pltpu.async_copy(ones_v.at[pl.ds(0, k)],
                             cnt_s.at[dst_v.at[off + j]], semc, add=True)
            pltpu.sync_copy(rows_v.at[b], acc_s.at[dst_v.at[off + j]],
                            add=True)
            return _

        lax.fori_loop(0, n_w, chunk, None)

        def drain(i, _):
            pltpu.make_async_copy(ones_v.at[pl.ds(0, k)],
                                  cnt_s.at[dst_v.at[off]], semc).wait()
            return _

        lax.fori_loop(0, n_w, drain, None)

        plsc.subcore_barrier()

        sl = pl.ds(zbase, rows_per_sub)

        @pl.when(cid == 0)
        def _():
            pltpu.async_copy(acc_s.at[sl], psum0.at[sl], semg.at[0])
            pltpu.async_copy(cnt_s.at[sl], pcnt0.at[sl], semg.at[1])
            pltpu.make_async_copy(acc_s.at[sl], psum0.at[sl],
                                  semg.at[0]).wait()
            pltpu.make_async_copy(cnt_s.at[sl], pcnt0.at[sl],
                                  semg.at[1]).wait()

        @pl.when(cid == 1)
        def _():
            pltpu.async_copy(acc_s.at[sl], psum1.at[sl], semg.at[0])
            pltpu.async_copy(cnt_s.at[sl], pcnt1.at[sl], semg.at[1])
            pltpu.make_async_copy(acc_s.at[sl], psum1.at[sl],
                                  semg.at[0]).wait()
            pltpu.make_async_copy(cnt_s.at[sl], pcnt1.at[sl],
                                  semg.at[1]).wait()

    return sc_kernel


def _tc_dense(n, d_in, d_out, rb):

    def body(x_ref, w1_ref, b_ref, o_ref):
        o_ref[...] = jnp.dot(
            x_ref[...], w1_ref[...],
            preferred_element_type=jnp.float32) + b_ref[...]

    return pl.pallas_call(
        body,
        grid=(n // rb,),
        in_specs=[
            pl.BlockSpec((rb, d_in), lambda i: (i, 0)),
            pl.BlockSpec((d_in, d_out), lambda i: (0, 0)),
            pl.BlockSpec((1, d_out), lambda i: (0, 0)),
        ],
        out_specs=pl.BlockSpec((rb, d_out), lambda i: (i, 0)),
        out_shape=jax.ShapeDtypeStruct((n, d_out), jnp.float32),
    )


def _tc_combine(n, d_in, d_out):
    rb = 1024

    def body(y1_ref, p0_ref, p1_ref, c0_ref, c1_ref, w2_ref, o_ref):
        c8 = c0_ref[...] + c1_ref[...]
        row = lax.broadcasted_iota(jnp.int32, (128, 128), 0)
        col = lax.broadcasted_iota(jnp.int32, (128, 128), 1)
        eye = (row == col).astype(jnp.float32)
        for g in range(rb // 128):
            sl = pl.ds(g * 128, 128)
            m = jnp.broadcast_to(c8[g:g + 1, :], (128, 128))
            cnt = jnp.sum(m * eye, axis=-1, keepdims=True)
            agg = (p0_ref[sl, :] + p1_ref[sl, :]) / jnp.maximum(cnt, 1.0)
            o_ref[sl, :] = y1_ref[sl, :] + jnp.dot(
                agg, w2_ref[...], preferred_element_type=jnp.float32)

    grid = (-(-n // rb),)
    return pl.pallas_call(
        body,
        grid=grid,
        in_specs=[
            pl.BlockSpec((rb, d_out), lambda i: (i, 0)),
            pl.BlockSpec((rb, d_in), lambda i: (i, 0)),
            pl.BlockSpec((rb, d_in), lambda i: (i, 0)),
            pl.BlockSpec((rb // 128, 128), lambda i: (i, 0)),
            pl.BlockSpec((rb // 128, 128), lambda i: (i, 0)),
            pl.BlockSpec((d_in, d_out), lambda i: (0, 0)),
        ],
        out_specs=pl.BlockSpec((rb, d_out), lambda i: (i, 0)),
        out_shape=jax.ShapeDtypeStruct((n, d_out), jnp.float32),
    )


@jax.jit
def kernel(node_features, edge_indices, W, b):
    bsz, n, d = node_features.shape
    e = edge_indices.shape[-1]
    d_out = W.shape[0]

    nw = 32
    k = 128
    for cand in range(128, 63, -1):
        if e % cand == 0 and (e // cand) % 8 == 0 and e // cand >= nw:
            k = cand
            break
    n_pad = -(-(n + 64) // 2048) * 2048

    rb = 1
    for cand in range(8, min(n, 1024) + 1, 8):
        if n % cand == 0:
            rb = cand
    if rb == 1:
        rb = n

    n_rows = -(-e // k)
    r8 = -(-n_rows // 8) * 8
    cap = -(-((-(-n_rows // nw) + 1) + 8) // 8) * 8
    cap = min(cap, r8)
    sc_fn = _sc_segment_sum(n_pad, d, nw, n_rows, r8, cap, k)
    tc1_fn = _tc_dense(n, d, d_out, rb)
    tc2_fn = _tc_combine(n, d, d_out)

    w1t = jnp.transpose(W[:, :d])
    w2t = jnp.transpose(W[:, d:])
    b2 = b.reshape(1, d_out)

    outs = []
    for bi in range(bsz):
        ei = edge_indices[bi]
        pad = r8 * k - e
        if pad:
            pad_dst = n + jnp.arange(pad, dtype=jnp.int32) % (n_pad - n)
            ei = jnp.concatenate(
                [ei, jnp.stack([jnp.zeros((pad,), jnp.int32), pad_dst])],
                axis=1)
        ei4 = ei.reshape(1, 2, r8, k)

        x = node_features[bi]
        psum0, psum1, pcnt0, pcnt1 = sc_fn(ei4, x)
        y1 = tc1_fn(x, w1t, b2)
        out = tc2_fn(y1, psum0, psum1,
                     pcnt0.reshape(n_pad // 128, 128),
                     pcnt1.reshape(n_pad // 128, 128), w2t)
        outs.append(out[None])
    return jnp.concatenate(outs, axis=0) if bsz > 1 else outs[0]

# --- scband reference (transcript-rebuilt; emitter-appended) ---
"""Pipeline reference for scband-graph-conv-layer-70506183131139 (READ-ONLY COPY).

The authoritative reference and input builder live on the scoring server;
editing this copy changes nothing except your own understanding.
"""

import jax, jax.numpy as jnp
import numpy as np

B, N, E, D_IN, D_OUT = 1, 10000, 160000, 128, 128

def setup_inputs(seed: int = 0) -> dict:
    key = jax.random.key(seed)
    k1, k2, k3, k4 = jax.random.split(key, 4)
    node_features = jax.random.normal(k1, (B, N, D_IN), dtype=jnp.float32)
    edge_indices = jax.random.randint(k2, (B, 2, E), 0, N, dtype=jnp.int32)
    # nn.Linear(in_dim*2, out_dim): W [out, 2*in], b [out]
    bound = 1.0 / np.sqrt(2 * D_IN)
    W = jax.random.uniform(k3, (D_OUT, 2 * D_IN), dtype=jnp.float32, minval=-bound, maxval=bound)
    b = jax.random.uniform(k4, (D_OUT,), dtype=jnp.float32, minval=-bound, maxval=bound)
    return {"node_features": node_features, "edge_indices": edge_indices, "W": W, "b": b}

def reference(node_features, edge_indices, W, b):
    Bn, Nn, Dn = node_features.shape
    def per_batch(x, e):
        src = e[0]
        dst = e[1]
        # mean aggregation of source-node features onto destination nodes
        sums = jax.ops.segment_sum(x[src], dst, num_segments=Nn)
        cnt = jax.ops.segment_sum(jnp.ones((src.shape[0],), dtype=x.dtype), dst, num_segments=Nn)
        # nodes with no neighbors -> zeros (matches torch branch)
        agg = sums / jnp.maximum(cnt, 1.0)[:, None]
        combined = jnp.concatenate([x, agg], axis=-1)
        return combined @ W.T + b
    return jax.vmap(per_batch)(node_features, edge_indices)

if __name__ == "__main__":
    import jax
    _d = setup_inputs()
    print(jax.jit(kernel)(*tuple(_d.values())))

</pallas_src>

<mosaic_0001>
#map = affine_map<(d0, d1) -> (0, 0, 0, 0)>
#map1 = affine_map<(d0, d1) -> (0, 0)>
#map2 = affine_map<(d0, d1) -> (0)>
module attributes {stable_mosaic.version = 14 : i64} {
  func.func @sc_kernel(%arg0: i32, %arg1: i32, %arg2: memref<1x2x1280x125xi32, #tpu.memory_space<hbm>>, %arg3: memref<10000x128xf32, #tpu.memory_space<hbm>>, %arg4: memref<10240x128xf32, #tpu.memory_space<hbm>>, %arg5: memref<10240x128xf32, #tpu.memory_space<hbm>>, %arg6: memref<10240xf32, #tpu.memory_space<hbm>>, %arg7: memref<10240xf32, #tpu.memory_space<hbm>>, %arg8: memref<56x125xi32, #tpu.memory_space<vmem>>, %arg9: memref<56x125xi32, #tpu.memory_space<vmem>>, %arg10: memref<2x125x128xf32, #tpu.memory_space<vmem>>, %arg11: memref<128xf32, #tpu.memory_space<vmem>>, %arg12: memref<10240x128xf32, #tpu.memory_space<vmem_shared>>, %arg13: memref<10240xf32, #tpu.memory_space<vmem_shared>>, %arg14: memref<2x!tpu.dma_semaphore, #tpu.memory_space<semaphore_mem>>, %arg15: memref<!tpu.dma_semaphore, #tpu.memory_space<semaphore_mem>>) attributes {dimension_semantics = [#tpu.dimension_semantics<core_parallel>, #tpu.dimension_semantics<subcore_parallel>], iteration_bounds = array<i64: 2, 16>, scalar_prefetch = 0 : i64, scratch_operands = 8 : i64, tpu.core_type = #tpu.core_type<sc_vector_subcore>, window_params = [{transform_indices = #map}, {transform_indices = #map1}, {transform_indices = #map1}, {transform_indices = #map1}, {transform_indices = #map2}, {transform_indices = #map2}]} {
    %mul3A = arith.constant 2 : i32
    %mul3A_0 = arith.muli %arg1, %mul3A : i32
    %add3A = arith.addi %mul3A_0, %arg0 : i32
    %mul3A_1 = arith.constant 1280 : i32
    %mul3A_2 = arith.muli %add3A, %mul3A_1 : i32
    %jit3A = arith.constant 32 : i32
    %div3A = arith.divsi %mul3A_2, %jit3A : i32
    %sign3A = arith.constant 0 : i32
    %sign3A_3 = arith.cmpi sgt, %mul3A_2, %sign3A : i32
    %sign3A_4 = arith.extui %sign3A_3 : i1 to i32
    %sign3A_5 = arith.constant 0 : i32
    %sign3A_6 = arith.cmpi slt, %mul3A_2, %sign3A_5 : i32
    %sign3A_7 = arith.extui %sign3A_6 : i1 to i32
    %sign3A_8 = arith.subi %sign3A_4, %sign3A_7 : i32
    %sign3A_9 = arith.constant 0 : i32
    %sign3A_10 = arith.cmpi sgt, %jit3A, %sign3A_9 : i32
    %sign3A_11 = arith.extui %sign3A_10 : i1 to i32
    %sign3A_12 = arith.constant 0 : i32
    %sign3A_13 = arith.cmpi slt, %jit3A, %sign3A_12 : i32
    %sign3A_14 = arith.extui %sign3A_13 : i1 to i32
    %sign3A_15 = arith.subi %sign3A_11, %sign3A_14 : i32
    %ne3A = arith.cmpi ne, %sign3A_8, %sign3A_15 : i32
    %rem3A = arith.remsi %mul3A_2, %jit3A : i32
    %ne3A_16 = arith.constant 0 : i32
    %ne3A_17 = arith.cmpi ne, %rem3A, %ne3A_16 : i32
    %and3A = arith.andi %ne3A, %ne3A_17 : i1
    %sub3A = arith.constant 1 : i32
    %sub3A_18 = arith.subi %div3A, %sub3A : i32
    %select_n3A = arith.select %and3A, %sub3A_18, %div3A : i32
    %add3A_19 = arith.constant 1 : i32
    %add3A_20 = arith.addi %add3A, %add3A_19 : i32
    %mul3A_21 = arith.constant 1280 : i32
    %mul3A_22 = arith.muli %add3A_20, %mul3A_21 : i32
    %jit3A_23 = arith.constant 32 : i32
    %div3A_24 = arith.divsi %mul3A_22, %jit3A_23 : i32
    %sign3A_25 = arith.constant 0 : i32
    %sign3A_26 = arith.cmpi sgt, %mul3A_22, %sign3A_25 : i32
    %sign3A_27 = arith.extui %sign3A_26 : i1 to i32
    %sign3A_28 = arith.constant 0 : i32
    %sign3A_29 = arith.cmpi slt, %mul3A_22, %sign3A_28 : i32
    %sign3A_30 = arith.extui %sign3A_29 : i1 to i32
    %sign3A_31 = arith.subi %sign3A_27, %sign3A_30 : i32
    %sign3A_32 = arith.constant 0 : i32
    %sign3A_33 = arith.cmpi sgt, %jit3A_23, %sign3A_32 : i32
    %sign3A_34 = arith.extui %sign3A_33 : i1 to i32
    %sign3A_35 = arith.constant 0 : i32
    %sign3A_36 = arith.cmpi slt, %jit3A_23, %sign3A_35 : i32
    %sign3A_37 = arith.extui %sign3A_36 : i1 to i32
    %sign3A_38 = arith.subi %sign3A_34, %sign3A_37 : i32
    %ne3A_39 = arith.cmpi ne, %sign3A_31, %sign3A_38 : i32
    %rem3A_40 = arith.remsi %mul3A_22, %jit3A_23 : i32
    %ne3A_41 = arith.constant 0 : i32
    %ne3A_42 = arith.cmpi ne, %rem3A_40, %ne3A_41 : i32
    %and3A_43 = arith.andi %ne3A_39, %ne3A_42 : i1
    %sub3A_44 = arith.constant 1 : i32
    %sub3A_45 = arith.subi %div3A_24, %sub3A_44 : i32
    %select_n3A_46 = arith.select %and3A_43, %sub3A_45, %div3A_24 : i32
    %sub3A_47 = arith.subi %select_n3A_46, %select_n3A : i32
    %jit3A_48 = arith.constant 8 : i32
    %div3A_49 = arith.divsi %select_n3A, %jit3A_48 : i32
    %sign3A_50 = arith.constant 0 : i32
    %sign3A_51 = arith.cmpi sgt, %select_n3A, %sign3A_50 : i32
    %sign3A_52 = arith.extui %sign3A_51 : i1 to i32
    %sign3A_53 = arith.constant 0 : i32
    %sign3A_54 = arith.cmpi slt, %select_n3A, %sign3A_53 : i32
    %sign3A_55 = arith.extui %sign3A_54 : i1 to i32
    %sign3A_56 = arith.subi %sign3A_52, %sign3A_55 : i32
    %sign3A_57 = arith.constant 0 : i32
    %sign3A_58 = arith.cmpi sgt, %jit3A_48, %sign3A_57 : i32
    %sign3A_59 = arith.extui %sign3A_58 : i1 to i32
    %sign3A_60 = arith.constant 0 : i32
    %sign3A_61 = arith.cmpi slt, %jit3A_48, %sign3A_60 : i32
    %sign3A_62 = arith.extui %sign3A_61 : i1 to i32
    %sign3A_63 = arith.subi %sign3A_59, %sign3A_62 : i32
    %ne3A_64 = arith.cmpi ne, %sign3A_56, %sign3A_63 : i32
    %rem3A_65 = arith.remsi %select_n3A, %jit3A_48 : i32
    %ne3A_66 = arith.constant 0 : i32
    %ne3A_67 = arith.cmpi ne, %rem3A_65, %ne3A_66 : i32
    %and3A_68 = arith.andi %ne3A_64, %ne3A_67 : i1
    %sub3A_69 = arith.constant 1 : i32
    %sub3A_70 = arith.subi %div3A_49, %sub3A_69 : i32
    %select_n3A_71 = arith.select %and3A_68, %sub3A_70, %div3A_49 : i32
    %mul3A_72 = arith.constant 8 : i32
    %mul3A_73 = arith.muli %select_n3A_71, %mul3A_72 : i32
    %min3A = arith.constant 1224 : i32
    %min3A_74 = arith.minsi %mul3A_73, %min3A : i32
    %multiple_of3A = tpu.assume_multiple %min3A_74, 8 : i32
    %sub3A_75 = arith.subi %select_n3A, %multiple_of3A : i32
    %broadcast_in_dim3A = arith.constant 0.000000e+00 : f32
    %broadcast_in_dim3A_76 = vector.broadcast %broadcast_in_dim3A : f32 to vector<16xf32>
    %broadcast_in_dim3A_77 = arith.constant 1.000000e+00 : f32
    %broadcast_in_dim3A_78 = vector.broadcast %broadcast_in_dim3A_77 : f32 to vector<16xf32>
    %scan3A = arith.constant 0 : i32
    %scan3A_79 = arith.constant 64 : i32
    %scan3A_80 = arith.addi %scan3A, %scan3A_79 : i32
    %scan3A_81 = arith.constant 1 : i32
    scf.for %scan3A_617 = %scan3A to %scan3A_80 step %scan3A_81  : i32 {
      %swap3A_618 = arith.constant 0 : i32
      %swap3A_619 = arith.index_cast %swap3A_618 : i32 to index
      %swap3A_620 = arith.index_cast %scan3A_617 : i32 to index
      %swap3A_621 = arith.constant 0 : index
      %swap3A_622 = tpu.vector_load %arg10[%swap3A_619, %swap3A_620, %swap3A_621] {strides = array<i32>} : memref<2x125x128xf32, #tpu.memory_space<vmem>>, vector<1x1x16xf32>,
      %swap3A_623 = vector.shape_cast %swap3A_622 : vector<1x1x16xf32> to vector<16xf32>
      %swap3A_624 = vector.shape_cast %broadcast_in_dim3A_76 : vector<16xf32> to vector<1x1x16xf32>
      tpu.vector_store %arg10[%swap3A_619, %swap3A_620, %swap3A_621], %swap3A_624 {strides = array<i32>} : memref<2x125x128xf32, #tpu.memory_space<vmem>>, vector<1x1x16xf32>,
      %swap3A_625 = arith.constant 0 : i32
      %swap3A_626 = arith.index_cast %swap3A_625 : i32 to index
      %swap3A_627 = arith.index_cast %scan3A_617 : i32 to index
      %swap3A_628 = arith.constant 16 : index
      %swap3A_629 = tpu.vector_load %arg10[%swap3A_626, %swap3A_627, %swap3A_628] {strides = array<i32>} : memref<2x125x128xf32, #tpu.memory_space<vmem>>, vector<1x1x16xf32>,
      %swap3A_630 = vector.shape_cast %swap3A_629 : vector<1x1x16xf32> to vector<16xf32>
      %swap3A_631 = vector.shape_cast %broadcast_in_dim3A_76 : vector<16xf32> to vector<1x1x16xf32>
      tpu.vector_store %arg10[%swap3A_626, %swap3A_627, %swap3A_628], %swap3A_631 {strides = array<i32>} : memref<2x125x128xf32, #tpu.memory_space<vmem>>, vector<1x1x16xf32>,
      %swap3A_632 = arith.constant 0 : i32
      %swap3A_633 = arith.index_cast %swap3A_632 : i32 to index
      %swap3A_634 = arith.index_cast %scan3A_617 : i32 to index
      %swap3A_635 = arith.constant 32 : index
      %swap3A_636 = tpu.vector_load %arg10[%swap3A_633, %swap3A_634, %swap3A_635] {strides = array<i32>} : memref<2x125x128xf32, #tpu.memory_space<vmem>>, vector<1x1x16xf32>,
      %swap3A_637 = vector.shape_cast %swap3A_636 : vector<1x1x16xf32> to vector<16xf32>
      %swap3A_638 = vector.shape_cast %broadcast_in_dim3A_76 : vector<16xf32> to vector<1x1x16xf32>
      tpu.vector_store %arg10[%swap3A_633, %swap3A_634, %swap3A_635], %swap3A_638 {strides = array<i32>} : memref<2x125x128xf32, #tpu.memory_space<vmem>>, vector<1x1x16xf32>,
      %swap3A_639 = arith.constant 0 : i32
      %swap3A_640 = arith.index_cast %swap3A_639 : i32 to index
      %swap3A_641 = arith.index_cast %scan3A_617 : i32 to index
      %swap3A_642 = arith.constant 48 : index
      %swap3A_643 = tpu.vector_load %arg10[%swap3A_640, %swap3A_641, %swap3A_642] {strides = array<i32>} : memref<2x125x128xf32, #tpu.memory_space<vmem>>, vector<1x1x16xf32>,
      %swap3A_644 = vector.shape_cast %swap3A_643 : vector<1x1x16xf32> to vector<16xf32>
      %swap3A_645 = vector.shape_cast %broadcast_in_dim3A_76 : vector<16xf32> to vector<1x1x16xf32>
      tpu.vector_store %arg10[%swap3A_640, %swap3A_641, %swap3A_642], %swap3A_645 {strides = array<i32>} : memref<2x125x128xf32, #tpu.memory_space<vmem>>, vector<1x1x16xf32>,
      %swap3A_646 = arith.constant 0 : i32
      %swap3A_647 = arith.index_cast %swap3A_646 : i32 to index
      %swap3A_648 = arith.index_cast %scan3A_617 : i32 to index
      %swap3A_649 = arith.constant 64 : index
      %swap3A_650 = tpu.vector_load %arg10[%swap3A_647, %swap3A_648, %swap3A_649] {strides = array<i32>} : memref<2x125x128xf32, #tpu.memory_space<vmem>>, vector<1x1x16xf32>,
      %swap3A_651 = vector.shape_cast %swap3A_650 : vector<1x1x16xf32> to vector<16xf32>
      %swap3A_652 = vector.shape_cast %broadcast_in_dim3A_76 : vector<16xf32> to vector<1x1x16xf32>
      tpu.vector_store %arg10[%swap3A_647, %swap3A_648, %swap3A_649], %swap3A_652 {strides = array<i32>} : memref<2x125x128xf32, #tpu.memory_space<vmem>>, vector<1x1x16xf32>,
      %swap3A_653 = arith.constant 0 : i32
      %swap3A_654 = arith.index_cast %swap3A_653 : i32 to index
      %swap3A_655 = arith.index_cast %scan3A_617 : i32 to index
      %swap3A_656 = arith.constant 80 : index
      %swap3A_657 = tpu.vector_load %arg10[%swap3A_654, %swap3A_655, %swap3A_656] {strides = array<i32>} : memref<2x125x128xf32, #tpu.memory_space<vmem>>, vector<1x1x16xf32>,
      %swap3A_658 = vector.shape_cast %swap3A_657 : vector<1x1x16xf32> to vector<16xf32>
      %swap3A_659 = vector.shape_cast %broadcast_in_dim3A_76 : vector<16xf32> to vector<1x1x16xf32>
      tpu.vector_store %arg10[%swap3A_654, %swap3A_655, %swap3A_656], %swap3A_659 {strides = array<i32>} : memref<2x125x128xf32, #tpu.memory_space<vmem>>, vector<1x1x16xf32>,
      %swap3A_660 = arith.constant 0 : i32
      %swap3A_661 = arith.index_cast %swap3A_660 : i32 to index
      %swap3A_662 = arith.index_cast %scan3A_617 : i32 to index
      %swap3A_663 = arith.constant 96 : index
      %swap3A_664 = tpu.vector_load %arg10[%swap3A_661, %swap3A_662, %swap3A_663] {strides = array<i32>} : memref<2x125x128xf32, #tpu.memory_space<vmem>>, vector<1x1x16xf32>,
      %swap3A_665 = vector.shape_cast %swap3A_664 : vector<1x1x16xf32> to vector<16xf32>
      %swap3A_666 = vector.shape_cast %broadcast_in_dim3A_76 : vector<16xf32> to vector<1x1x16xf32>
      tpu.vector_store %arg10[%swap3A_661, %swap3A_662, %swap3A_663], %swap3A_666 {strides = array<i32>} : memref<2x125x128xf32, #tpu.memory_space<vmem>>, vector<1x1x16xf32>,
      %swap3A_667 = arith.constant 0 : i32
      %swap3A_668 = arith.index_cast %swap3A_667 : i32 to index
      %swap3A_669 = arith.index_cast %scan3A_617 : i32 to index
      %swap3A_670 = arith.constant 112 : index
      %swap3A_671 = tpu.vector_load %arg10[%swap3A_668, %swap3A_669, %swap3A_670] {strides = array<i32>} : memref<2x125x128xf32, #tpu.memory_space<vmem>>, vector<1x1x16xf32>,
      %swap3A_672 = vector.shape_cast %swap3A_671 : vector<1x1x16xf32> to vector<16xf32>
      %swap3A_673 = vector.shape_cast %broadcast_in_dim3A_76 : vector<16xf32> to vector<1x1x16xf32>
      tpu.vector_store %arg10[%swap3A_668, %swap3A_669, %swap3A_670], %swap3A_673 {strides = array<i32>} : memref<2x125x128xf32, #tpu.memory_space<vmem>>, vector<1x1x16xf32>,
    }
    %scan3A_82 = arith.constant 64 : i32
    %swap3A = arith.constant 0 : index
    %swap3A_83 = tpu.vector_load %arg11[%swap3A] {strides = array<i32>} : memref<128xf32, #tpu.memory_space<vmem>>, vector<16xf32>,
    %swap3A_84 = vector.shape_cast %swap3A_83 : vector<16xf32> to vector<16xf32>
    %swap3A_85 = vector.shape_cast %broadcast_in_dim3A_78 : vector<16xf32> to vector<16xf32>
    tpu.vector_store %arg11[%swap3A], %swap3A_85 {strides = array<i32>} : memref<128xf32, #tpu.memory_space<vmem>>, vector<16xf32>,
    %swap3A_86 = arith.constant 16 : index
    %swap3A_87 = tpu.vector_load %arg11[%swap3A_86] {strides = array<i32>} : memref<128xf32, #tpu.memory_space<vmem>>, vector<16xf32>,
    %swap3A_88 = vector.shape_cast %swap3A_87 : vector<16xf32> to vector<16xf32>
    %swap3A_89 = vector.shape_cast %broadcast_in_dim3A_78 : vector<16xf32> to vector<16xf32>
    tpu.vector_store %arg11[%swap3A_86], %swap3A_89 {strides = array<i32>} : memref<128xf32, #tpu.memory_space<vmem>>, vector<16xf32>,
    %swap3A_90 = arith.constant 32 : index
    %swap3A_91 = tpu.vector_load %arg11[%swap3A_90] {strides = array<i32>} : memref<128xf32, #tpu.memory_space<vmem>>, vector<16xf32>,
    %swap3A_92 = vector.shape_cast %swap3A_91 : vector<16xf32> to vector<16xf32>
    %swap3A_93 = vector.shape_cast %broadcast_in_dim3A_78 : vector<16xf32> to vector<16xf32>
    tpu.vector_store %arg11[%swap3A_90], %swap3A_93 {strides = array<i32>} : memref<128xf32, #tpu.memory_space<vmem>>, vector<16xf32>,
    %swap3A_94 = arith.constant 48 : index
    %swap3A_95 = tpu.vector_load %arg11[%swap3A_94] {strides = array<i32>} : memref<128xf32, #tpu.memory_space<vmem>>, vector<16xf32>,
    %swap3A_96 = vector.shape_cast %swap3A_95 : vector<16xf32> to vector<16xf32>
    %swap3A_97 = vector.shape_cast %broadcast_in_dim3A_78 : vector<16xf32> to vector<16xf32>
    tpu.vector_store %arg11[%swap3A_94], %swap3A_97 {strides = array<i32>} : memref<128xf32, #tpu.memory_space<vmem>>, vector<16xf32>,
    %swap3A_98 = arith.constant 64 : index
    %swap3A_99 = tpu.vector_load %arg11[%swap3A_98] {strides = array<i32>} : memref<128xf32, #tpu.memory_space<vmem>>, vector<16xf32>,
    %swap3A_100 = vector.shape_cast %swap3A_99 : vector<16xf32> to vector<16xf32>
    %swap3A_101 = vector.shape_cast %broadcast_in_dim3A_78 : vector<16xf32> to vector<16xf32>
    tpu.vector_store %arg11[%swap3A_98], %swap3A_101 {strides = array<i32>} : memref<128xf32, #tpu.memory_space<vmem>>, vector<16xf32>,
    %swap3A_102 = arith.constant 80 : index
    %swap3A_103 = tpu.vector_load %arg11[%swap3A_102] {strides = array<i32>} : memref<128xf32, #tpu.memory_space<vmem>>, vector<16xf32>,
    %swap3A_104 = vector.shape_cast %swap3A_103 : vector<16xf32> to vector<16xf32>
    %swap3A_105 = vector.shape_cast %broadcast_in_dim3A_78 : vector<16xf32> to vector<16xf32>
    tpu.vector_store %arg11[%swap3A_102], %swap3A_105 {strides = array<i32>} : memref<128xf32, #tpu.memory_space<vmem>>, vector<16xf32>,
    %swap3A_106 = arith.constant 96 : index
    %swap3A_107 = tpu.vector_load %arg11[%swap3A_106] {strides = array<i32>} : memref<128xf32, #tpu.memory_space<vmem>>, vector<16xf32>,
    %swap3A_108 = vector.shape_cast %swap3A_107 : vector<16xf32> to vector<16xf32>
    %swap3A_109 = vector.shape_cast %broadcast_in_dim3A_78 : vector<16xf32> to vector<16xf32>
    tpu.vector_store %arg11[%swap3A_106], %swap3A_109 {strides = array<i32>} : memref<128xf32, #tpu.memory_space<vmem>>, vector<16xf32>,
    %swap3A_110 = arith.constant 112 : index
    %swap3A_111 = tpu.vector_load %arg11[%swap3A_110] {strides = array<i32>} : memref<128xf32, #tpu.memory_space<vmem>>, vector<16xf32>,
    %swap3A_112 = vector.shape_cast %swap3A_111 : vector<16xf32> to vector<16xf32>
    %swap3A_113 = vector.shape_cast %broadcast_in_dim3A_78 : vector<16xf32> to vector<16xf32>
    tpu.vector_store %arg11[%swap3A_110], %swap3A_113 {strides = array<i32>} : memref<128xf32, #tpu.memory_space<vmem>>, vector<16xf32>,
    %mul3A_114 = arith.constant 640 : i32
    %mul3A_115 = arith.muli %arg1, %mul3A_114 : i32
    %add3A_116 = arith.constant 0 : i32
    %add3A_117 = arith.addi %mul3A_115, %add3A_116 : i32
    %dma_start3A = arith.constant 0 : i32
    %dma_start3A_118 = arith.constant 0 : i32
    %dma_start3A_119 = arith.constant 0 : i32
    %dma_start3A_120 = tpu.memref_slice %arg10[%dma_start3A, %dma_start3A_118, %dma_start3A_119] : memref<2x125x128xf32, #tpu.memory_space<vmem>> -> memref<1x64x128xf32, #tpu.memory_space<vmem>>
    %dma_start3A_121 = tpu.memref_squeeze %dma_start3A_120 : memref<1x64x128xf32, #tpu.memory_space<vmem>> -> memref<64x128xf32, #tpu.memory_space<vmem>>
    %dma_start3A_122 = arith.constant 0 : i32
    %dma_start3A_123 = tpu.memref_slice %arg12[%add3A_117, %dma_start3A_122] : memref<10240x128xf32, #tpu.memory_space<vmem_shared>> -> memref<64x128xf32, #tpu.memory_space<vmem_shared>>
    %dma_start3A_124 = arith.constant 0 : i32
    %dma_start3A_125 = tpu.memref_slice %arg12[%add3A_117, %dma_start3A_124] : memref<10240x128xf32, #tpu.memory_space<vmem_shared>> -> memref<64x128xf32, #tpu.memory_space<vmem_shared>>
    %dma_start3A_126 = arith.constant 0 : i32
    %dma_start3A_127 = arith.constant 0 : i32
    %dma_start3A_128 = tpu.memref_slice %arg10[%dma_start3A, %dma_start3A_126, %dma_start3A_127] : memref<2x125x128xf32, #tpu.memory_space<vmem>> -> memref<1x64x128xf32, #tpu.memory_space<vmem>>
    %dma_start3A_129 = tpu.memref_squeeze %dma_start3A_128 : memref<1x64x128xf32, #tpu.memory_space<vmem>> -> memref<64x128xf32, #tpu.memory_space<vmem>>
    tpu.enqueue_dma source(%dma_start3A_129 : memref<64x128xf32, #tpu.memory_space<vmem>>) target(%dma_start3A_125 : memref<64x128xf32, #tpu.memory_space<vmem_shared>>) target_semaphore(%arg15 : memref<!tpu.dma_semaphore, #tpu.memory_space<semaphore_mem>>)
    %add3A_130 = arith.constant 64 : i32
    %add3A_131 = arith.addi %mul3A_115, %add3A_130 : i32
    %dma_start3A_132 = arith.constant 0 : i32
    %dma_start3A_133 = arith.constant 0 : i32
    %dma_start3A_134 = arith.constant 0 : i32
    %dma_start3A_135 = tpu.memref_slice %arg10[%dma_start3A_132, %dma_start3A_133, %dma_start3A_134] : memref<2x125x128xf32, #tpu.memory_space<vmem>> -> memref<1x64x128xf32, #tpu.memory_space<vmem>>
    %dma_start3A_136 = tpu.memref_squeeze %dma_start3A_135 : memref<1x64x128xf32, #tpu.memory_space<vmem>> -> memref<64x128xf32, #tpu.memory_space<vmem>>
    %dma_start3A_137 = arith.constant 0 : i32
    %dma_start3A_138 = tpu.memref_slice %arg12[%add3A_131, %dma_start3A_137] : memref<10240x128xf32, #tpu.memory_space<vmem_shared>> -> memref<64x128xf32, #tpu.memory_space<vmem_shared>>
    %dma_start3A_139 = arith.constant 0 : i32
    %dma_start3A_140 = tpu.memref_slice %arg12[%add3A_131, %dma_start3A_139] : memref<10240x128xf32, #tpu.memory_space<vmem_shared>> -> memref<64x128xf32, #tpu.memory_space<vmem_shared>>
    %dma_start3A_141 = arith.constant 0 : i32
    %dma_start3A_142 = arith.constant 0 : i32
    %dma_start3A_143 = tpu.memref_slice %arg10[%dma_start3A_132, %dma_start3A_141, %dma_start3A_142] : memref<2x125x128xf32, #tpu.memory_space<vmem>> -> memref<1x64x128xf32, #tpu.memory_space<vmem>>
    %dma_start3A_144 = tpu.memref_squeeze %dma_start3A_143 : memref<1x64x128xf32, #tpu.memory_space<vmem>> -> memref<64x128xf32, #tpu.memory_space<vmem>>
    tpu.enqueue_dma source(%dma_start3A_144 : memref<64x128xf32, #tpu.memory_space<vmem>>) target(%dma_start3A_140 : memref<64x128xf32, #tpu.memory_space<vmem_shared>>) target_semaphore(%arg15 : memref<!tpu.dma_semaphore, #tpu.memory_space<semaphore_mem>>)
    %add3A_145 = arith.constant 128 : i32
    %add3A_146 = arith.addi %mul3A_115, %add3A_145 : i32
    %dma_start3A_147 = arith.constant 0 : i32
    %dma_start3A_148 = arith.constant 0 : i32
    %dma_start3A_149 = arith.constant 0 : i32
    %dma_start3A_150 = tpu.memref_slice %arg10[%dma_start3A_147, %dma_start3A_148, %dma_start3A_149] : memref<2x125x128xf32, #tpu.memory_space<vmem>> -> memref<1x64x128xf32, #tpu.memory_space<vmem>>
    %dma_start3A_151 = tpu.memref_squeeze %dma_start3A_150 : memref<1x64x128xf32, #tpu.memory_space<vmem>> -> memref<64x128xf32, #tpu.memory_space<vmem>>
    %dma_start3A_152 = arith.constant 0 : i32
    %dma_start3A_153 = tpu.memref_slice %arg12[%add3A_146, %dma_start3A_152] : memref<10240x128xf32, #tpu.memory_space<vmem_shared>> -> memref<64x128xf32, #tpu.memory_space<vmem_shared>>
    %dma_start3A_154 = arith.constant 0 : i32
    %dma_start3A_155 = tpu.memref_slice %arg12[%add3A_146, %dma_start3A_154] : memref<10240x128xf32, #tpu.memory_space<vmem_shared>> -> memref<64x128xf32, #tpu.memory_space<vmem_shared>>
    %dma_start3A_156 = arith.constant 0 : i32
    %dma_start3A_157 = arith.constant 0 : i32
    %dma_start3A_158 = tpu.memref_slice %arg10[%dma_start3A_147, %dma_start3A_156, %dma_start3A_157] : memref<2x125x128xf32, #tpu.memory_space<vmem>> -> memref<1x64x128xf32, #tpu.memory_space<vmem>>
    %dma_start3A_159 = tpu.memref_squeeze %dma_start3A_158 : memref<1x64x128xf32, #tpu.memory_space<vmem>> -> memref<64x128xf32, #tpu.memory_space<vmem>>
    tpu.enqueue_dma source(%dma_start3A_159 : memref<64x128xf32, #tpu.memory_space<vmem>>) target(%dma_start3A_155 : memref<64x128xf32, #tpu.memory_space<vmem_shared>>) target_semaphore(%arg15 : memref<!tpu.dma_semaphore, #tpu.memory_space<semaphore_mem>>)
    %add3A_160 = arith.constant 192 : i32
    %add3A_161 = arith.addi %mul3A_115, %add3A_160 : i32
    %dma_start3A_162 = arith.constant 0 : i32
    %dma_start3A_163 = arith.constant 0 : i32
    %dma_start3A_164 = arith.constant 0 : i32
    %dma_start3A_165 = tpu.memref_slice %arg10[%dma_start3A_162, %dma_start3A_163, %dma_start3A_164] : memref<2x125x128xf32, #tpu.memory_space<vmem>> -> memref<1x64x128xf32, #tpu.memory_space<vmem>>
    %dma_start3A_166 = tpu.memref_squeeze %dma_start3A_165 : memref<1x64x128xf32, #tpu.memory_space<vmem>> -> memref<64x128xf32, #tpu.memory_space<vmem>>
    %dma_start3A_167 = arith.constant 0 : i32
    %dma_start3A_168 = tpu.memref_slice %arg12[%add3A_161, %dma_start3A_167] : memref<10240x128xf32, #tpu.memory_space<vmem_shared>> -> memref<64x128xf32, #tpu.memory_space<vmem_shared>>
    %dma_start3A_169 = arith.constant 0 : i32
    %dma_start3A_170 = tpu.memref_slice %arg12[%add3A_161, %dma_start3A_169] : memref<10240x128xf32, #tpu.memory_space<vmem_shared>> -> memref<64x128xf32, #tpu.memory_space<vmem_shared>>
    %dma_start3A_171 = arith.constant 0 : i32
    %dma_start3A_172 = arith.constant 0 : i32
    %dma_start3A_173 = tpu.memref_slice %arg10[%dma_start3A_162, %dma_start3A_171, %dma_start3A_172] : memref<2x125x128xf32, #tpu.memory_space<vmem>> -> memref<1x64x128xf32, #tpu.memory_space<vmem>>
    %dma_start3A_174 = tpu.memref_squeeze %dma_start3A_173 : memref<1x64x128xf32, #tpu.memory_space<vmem>> -> memref<64x128xf32, #tpu.memory_space<vmem>>
    tpu.enqueue_dma source(%dma_start3A_174 : memref<64x128xf32, #tpu.memory_space<vmem>>) target(%dma_start3A_170 : memref<64x128xf32, #tpu.memory_space<vmem_shared>>) target_semaphore(%arg15 : memref<!tpu.dma_semaphore, #tpu.memory_space<semaphore_mem>>)
    %add3A_175 = arith.constant 256 : i32
    %add3A_176 = arith.addi %mul3A_115, %add3A_175 : i32
    %dma_start3A_177 = arith.constant 0 : i32
    %dma_start3A_178 = arith.constant 0 : i32
    %dma_start3A_179 = arith.constant 0 : i32
    %dma_start3A_180 = tpu.memref_slice %arg10[%dma_start3A_177, %dma_start3A_178, %dma_start3A_179] : memref<2x125x128xf32, #tpu.memory_space<vmem>> -> memref<1x64x128xf32, #tpu.memory_space<vmem>>
    %dma_start3A_181 = tpu.memref_squeeze %dma_start3A_180 : memref<1x64x128xf32, #tpu.memory_space<vmem>> -> memref<64x128xf32, #tpu.memory_space<vmem>>
    %dma_start3A_182 = arith.constant 0 : i32
    %dma_start3A_183 = tpu.memref_slice %arg12[%add3A_176, %dma_start3A_182] : memref<10240x128xf32, #tpu.memory_space<vmem_shared>> -> memref<64x128xf32, #tpu.memory_space<vmem_shared>>
    %dma_start3A_184 = arith.constant 0 : i32
    %dma_start3A_185 = tpu.memref_slice %arg12[%add3A_176, %dma_start3A_184] : memref<10240x128xf32, #tpu.memory_space<vmem_shared>> -> memref<64x128xf32, #tpu.memory_space<vmem_shared>>
    %dma_start3A_186 = arith.constant 0 : i32
    %dma_start3A_187 = arith.constant 0 : i32
    %dma_start3A_188 = tpu.memref_slice %arg10[%dma_start3A_177, %dma_start3A_186, %dma_start3A_187] : memref<2x125x128xf32, #tpu.memory_space<vmem>> -> memref<1x64x128xf32, #tpu.memory_space<vmem>>
    %dma_start3A_189 = tpu.memref_squeeze %dma_start3A_188 : memref<1x64x128xf32, #tpu.memory_space<vmem>> -> memref<64x128xf32, #tpu.memory_space<vmem>>
    tpu.enqueue_dma source(%dma_start3A_189 : memref<64x128xf32, #tpu.memory_space<vmem>>) target(%dma_start3A_185 : memref<64x128xf32, #tpu.memory_space<vmem_shared>>) target_semaphore(%arg15 : memref<!tpu.dma_semaphore, #tpu.memory_space<semaphore_mem>>)
    %add3A_190 = arith.constant 320 : i32
    %add3A_191 = arith.addi %mul3A_115, %add3A_190 : i32
    %dma_start3A_192 = arith.constant 0 : i32
    %dma_start3A_193 = arith.constant 0 : i32
    %dma_start3A_194 = arith.constant 0 : i32
    %dma_start3A_195 = tpu.memref_slice %arg10[%dma_start3A_192, %dma_start3A_193, %dma_start3A_194] : memref<2x125x128xf32, #tpu.memory_space<vmem>> -> memref<1x64x128xf32, #tpu.memory_space<vmem>>
    %dma_start3A_196 = tpu.memref_squeeze %dma_start3A_195 : memref<1x64x128xf32, #tpu.memory_space<vmem>> -> memref<64x128xf32, #tpu.memory_space<vmem>>
    %dma_start3A_197 = arith.constant 0 : i32
    %dma_start3A_198 = tpu.memref_slice %arg12[%add3A_191, %dma_start3A_197] : memref<10240x128xf32, #tpu.memory_space<vmem_shared>> -> memref<64x128xf32, #tpu.memory_space<vmem_shared>>
    %dma_start3A_199 = arith.constant 0 : i32
    %dma_start3A_200 = tpu.memref_slice %arg12[%add3A_191, %dma_start3A_199] : memref<10240x128xf32, #tpu.memory_space<vmem_shared>> -> memref<64x128xf32, #tpu.memory_space<vmem_shared>>
    %dma_start3A_201 = arith.constant 0 : i32
    %dma_start3A_202 = arith.constant 0 : i32
    %dma_start3A_203 = tpu.memref_slice %arg10[%dma_start3A_192, %dma_start3A_201, %dma_start3A_202] : memref<2x125x128xf32, #tpu.memory_space<vmem>> -> memref<1x64x128xf32, #tpu.memory_space<vmem>>
    %dma_start3A_204 = tpu.memref_squeeze %dma_start3A_203 : memref<1x64x128xf32, #tpu.memory_space<vmem>> -> memref<64x128xf32, #tpu.memory_space<vmem>>
    tpu.enqueue_dma source(%dma_start3A_204 : memref<64x128xf32, #tpu.memory_space<vmem>>) target(%dma_start3A_200 : memref<64x128xf32, #tpu.memory_space<vmem_shared>>) target_semaphore(%arg15 : memref<!tpu.dma_semaphore, #tpu.memory_space<semaphore_mem>>)
    %add3A_205 = arith.constant 384 : i32
    %add3A_206 = arith.addi %mul3A_115, %add3A_205 : i32
    %dma_start3A_207 = arith.constant 0 : i32
    %dma_start3A_208 = arith.constant 0 : i32
    %dma_start3A_209 = arith.constant 0 : i32
    %dma_start3A_210 = tpu.memref_slice %arg10[%dma_start3A_207, %dma_start3A_208, %dma_start3A_209] : memref<2x125x128xf32, #tpu.memory_space<vmem>> -> memref<1x64x128xf32, #tpu.memory_space<vmem>>
    %dma_start3A_211 = tpu.memref_squeeze %dma_start3A_210 : memref<1x64x128xf32, #tpu.memory_space<vmem>> -> memref<64x128xf32, #tpu.memory_space<vmem>>
    %dma_start3A_212 = arith.constant 0 : i32
    %dma_start3A_213 = tpu.memref_slice %arg12[%add3A_206, %dma_start3A_212] : memref<10240x128xf32, #tpu.memory_space<vmem_shared>> -> memref<64x128xf32, #tpu.memory_space<vmem_shared>>
    %dma_start3A_214 = arith.constant 0 : i32
    %dma_start3A_215 = tpu.memref_slice %arg12[%add3A_206, %dma_start3A_214] : memref<10240x128xf32, #tpu.memory_space<vmem_shared>> -> memref<64x128xf32, #tpu.memory_space<vmem_shared>>
    %dma_start3A_216 = arith.constant 0 : i32
    %dma_start3A_217 = arith.constant 0 : i32
    %dma_start3A_218 = tpu.memref_slice %arg10[%dma_start3A_207, %dma_start3A_216, %dma_start3A_217] : memref<2x125x128xf32, #tpu.memory_space<vmem>> -> memref<1x64x128xf32, #tpu.memory_space<vmem>>
    %dma_start3A_219 = tpu.memref_squeeze %dma_start3A_218 : memref<1x64x128xf32, #tpu.memory_space<vmem>> -> memref<64x128xf32, #tpu.memory_space<vmem>>
    tpu.enqueue_dma source(%dma_start3A_219 : memref<64x128xf32, #tpu.memory_space<vmem>>) target(%dma_start3A_215 : memref<64x128xf32, #tpu.memory_space<vmem_shared>>) target_semaphore(%arg15 : memref<!tpu.dma_semaphore, #tpu.memory_space<semaphore_mem>>)
    %add3A_220 = arith.constant 448 : i32
    %add3A_221 = arith.addi %mul3A_115, %add3A_220 : i32
    %dma_start3A_222 = arith.constant 0 : i32
    %dma_start3A_223 = arith.constant 0 : i32
    %dma_start3A_224 = arith.constant 0 : i32
    %dma_start3A_225 = tpu.memref_slice %arg10[%dma_start3A_222, %dma_start3A_223, %dma_start3A_224] : memref<2x125x128xf32, #tpu.memory_space<vmem>> -> memref<1x64x128xf32, #tpu.memory_space<vmem>>
    %dma_start3A_226 = tpu.memref_squeeze %dma_start3A_225 : memref<1x64x128xf32, #tpu.memory_space<vmem>> -> memref<64x128xf32, #tpu.memory_space<vmem>>
    %dma_start3A_227 = arith.constant 0 : i32
    %dma_start3A_228 = tpu.memref_slice %arg12[%add3A_221, %dma_start3A_227] : memref<10240x128xf32, #tpu.memory_space<vmem_shared>> -> memref<64x128xf32, #tpu.memory_space<vmem_shared>>
    %dma_start3A_229 = arith.constant 0 : i32
    %dma_start3A_230 = tpu.memref_slice %arg12[%add3A_221, %dma_start3A_229] : memref<10240x128xf32, #tpu.memory_space<vmem_shared>> -> memref<64x128xf32, #tpu.memory_space<vmem_shared>>
    %dma_start3A_231 = arith.constant 0 : i32
    %dma_start3A_232 = arith.constant 0 : i32
    %dma_start3A_233 = tpu.memref_slice %arg10[%dma_start3A_222, %dma_start3A_231, %dma_start3A_232] : memref<2x125x128xf32, #tpu.memory_space<vmem>> -> memref<1x64x128xf32, #tpu.memory_space<vmem>>
    %dma_start3A_234 = tpu.memref_squeeze %dma_start3A_233 : memref<1x64x128xf32, #tpu.memory_space<vmem>> -> memref<64x128xf32, #tpu.memory_space<vmem>>
    tpu.enqueue_dma source(%dma_start3A_234 : memref<64x128xf32, #tpu.memory_space<vmem>>) target(%dma_start3A_230 : memref<64x128xf32, #tpu.memory_space<vmem_shared>>) target_semaphore(%arg15 : memref<!tpu.dma_semaphore, #tpu.memory_space<semaphore_mem>>)
    %add3A_235 = arith.constant 512 : i32
    %add3A_236 = arith.addi %mul3A_115, %add3A_235 : i32
    %dma_start3A_237 = arith.constant 0 : i32
    %dma_start3A_238 = arith.constant 0 : i32
    %dma_start3A_239 = arith.constant 0 : i32
    %dma_start3A_240 = tpu.memref_slice %arg10[%dma_start3A_237, %dma_start3A_238, %dma_start3A_239] : memref<2x125x128xf32, #tpu.memory_space<vmem>> -> memref<1x64x128xf32, #tpu.memory_space<vmem>>
    %dma_start3A_241 = tpu.memref_squeeze %dma_start3A_240 : memref<1x64x128xf32, #tpu.memory_space<vmem>> -> memref<64x128xf32, #tpu.memory_space<vmem>>
    %dma_start3A_242 = arith.constant 0 : i32
    %dma_start3A_243 = tpu.memref_slice %arg12[%add3A_236, %dma_start3A_242] : memref<10240x128xf32, #tpu.memory_space<vmem_shared>> -> memref<64x128xf32, #tpu.memory_space<vmem_shared>>
    %dma_start3A_244 = arith.constant 0 : i32
    %dma_start3A_245 = tpu.memref_slice %arg12[%add3A_236, %dma_start3A_244] : memref<10240x128xf32, #tpu.memory_space<vmem_shared>> -> memref<64x128xf32, #tpu.memory_space<vmem_shared>>
    %dma_start3A_246 = arith.constant 0 : i32
    %dma_start3A_247 = arith.constant 0 : i32
    %dma_start3A_248 = tpu.memref_slice %arg10[%dma_start3A_237, %dma_start3A_246, %dma_start3A_247] : memref<2x125x128xf32, #tpu.memory_space<vmem>> -> memref<1x64x128xf32, #tpu.memory_space<vmem>>
    %dma_start3A_249 = tpu.memref_squeeze %dma_start3A_248 : memref<1x64x128xf32, #tpu.memory_space<vmem>> -> memref<64x128xf32, #tpu.memory_space<vmem>>
    tpu.enqueue_dma source(%dma_start3A_249 : memref<64x128xf32, #tpu.memory_space<vmem>>) target(%dma_start3A_245 : memref<64x128xf32, #tpu.memory_space<vmem_shared>>) target_semaphore(%arg15 : memref<!tpu.dma_semaphore, #tpu.memory_space<semaphore_mem>>)
    %add3A_250 = arith.constant 576 : i32
    %add3A_251 = arith.addi %mul3A_115, %add3A_250 : i32
    %dma_start3A_252 = arith.constant 0 : i32
    %dma_start3A_253 = arith.constant 0 : i32
    %dma_start3A_254 = arith.constant 0 : i32
    %dma_start3A_255 = tpu.memref_slice %arg10[%dma_start3A_252, %dma_start3A_253, %dma_start3A_254] : memref<2x125x128xf32, #tpu.memory_space<vmem>> -> memref<1x64x128xf32, #tpu.memory_space<vmem>>
    %dma_start3A_256 = tpu.memref_squeeze %dma_start3A_255 : memref<1x64x128xf32, #tpu.memory_space<vmem>> -> memref<64x128xf32, #tpu.memory_space<vmem>>
    %dma_start3A_257 = arith.constant 0 : i32
    %dma_start3A_258 = tpu.memref_slice %arg12[%add3A_251, %dma_start3A_257] : memref<10240x128xf32, #tpu.memory_space<vmem_shared>> -> memref<64x128xf32, #tpu.memory_space<vmem_shared>>
    %dma_start3A_259 = arith.constant 0 : i32
    %dma_start3A_260 = tpu.memref_slice %arg12[%add3A_251, %dma_start3A_259] : memref<10240x128xf32, #tpu.memory_space<vmem_shared>> -> memref<64x128xf32, #tpu.memory_space<vmem_shared>>
    %dma_start3A_261 = arith.constant 0 : i32
    %dma_start3A_262 = arith.constant 0 : i32
    %dma_start3A_263 = tpu.memref_slice %arg10[%dma_start3A_252, %dma_start3A_261, %dma_start3A_262] : memref<2x125x128xf32, #tpu.memory_space<vmem>> -> memref<1x64x128xf32, #tpu.memory_space<vmem>>
    %dma_start3A_264 = tpu.memref_squeeze %dma_start3A_263 : memref<1x64x128xf32, #tpu.memory_space<vmem>> -> memref<64x128xf32, #tpu.memory_space<vmem>>
    tpu.enqueue_dma source(%dma_start3A_264 : memref<64x128xf32, #tpu.memory_space<vmem>>) target(%dma_start3A_260 : memref<64x128xf32, #tpu.memory_space<vmem_shared>>) target_semaphore(%arg15 : memref<!tpu.dma_semaphore, #tpu.memory_space<semaphore_mem>>)
    %add3A_265 = arith.constant 0 : i32
    %add3A_266 = arith.addi %mul3A_115, %add3A_265 : i32
    %dma_start3A_267 = arith.constant 0 : i32
    %dma_start3A_268 = arith.constant 0 : i32
    %dma_start3A_269 = arith.constant 0 : i32
    %dma_start3A_270 = tpu.memref_slice %arg10[%dma_start3A_267, %dma_start3A_268, %dma_start3A_269] : memref<2x125x128xf32, #tpu.memory_space<vmem>> -> memref<1x1x128xf32, #tpu.memory_space<vmem>>
    %dma_start3A_271 = tpu.memref_squeeze %dma_start3A_270 : memref<1x1x128xf32, #tpu.memory_space<vmem>> -> memref<128xf32, #tpu.memory_space<vmem>>
    %dma_start3A_272 = tpu.memref_slice %arg13[%add3A_266] : memref<10240xf32, #tpu.memory_space<vmem_shared>> -> memref<128xf32, #tpu.memory_space<vmem_shared>>
    %dma_start3A_273 = tpu.memref_slice %arg13[%add3A_266] : memref<10240xf32, #tpu.memory_space<vmem_shared>> -> memref<128xf32, #tpu.memory_space<vmem_shared>>
    %dma_start3A_274 = arith.constant 0 : i32
    %dma_start3A_275 = tpu.memref_slice %arg10[%dma_start3A_267, %dma_start3A_268, %dma_start3A_274] : memref<2x125x128xf32, #tpu.memory_space<vmem>> -> memref<1x1x128xf32, #tpu.memory_space<vmem>>
    %dma_start3A_276 = tpu.memref_squeeze %dma_start3A_275 : memref<1x1x128xf32, #tpu.memory_space<vmem>> -> memref<128xf32, #tpu.memory_space<vmem>>
    tpu.enqueue_dma source(%dma_start3A_276 : memref<128xf32, #tpu.memory_space<vmem>>) target(%dma_start3A_273 : memref<128xf32, #tpu.memory_space<vmem_shared>>) target_semaphore(%arg15 : memref<!tpu.dma_semaphore, #tpu.memory_space<semaphore_mem>>)
    %add3A_277 = arith.constant 128 : i32
    %add3A_278 = arith.addi %mul3A_115, %add3A_277 : i32
    %dma_start3A_279 = arith.constant 0 : i32
    %dma_start3A_280 = arith.constant 0 : i32
    %dma_start3A_281 = arith.constant 0 : i32
    %dma_start3A_282 = tpu.memref_slice %arg10[%dma_start3A_279, %dma_start3A_280, %dma_start3A_281] : memref<2x125x128xf32, #tpu.memory_space<vmem>> -> memref<1x1x128xf32, #tpu.memory_space<vmem>>
    %dma_start3A_283 = tpu.memref_squeeze %dma_start3A_282 : memref<1x1x128xf32, #tpu.memory_space<vmem>> -> memref<128xf32, #tpu.memory_space<vmem>>
    %dma_start3A_284 = tpu.memref_slice %arg13[%add3A_278] : memref<10240xf32, #tpu.memory_space<vmem_shared>> -> memref<128xf32, #tpu.memory_space<vmem_shared>>
    %dma_start3A_285 = tpu.memref_slice %arg13[%add3A_278] : memref<10240xf32, #tpu.memory_space<vmem_shared>> -> memref<128xf32, #tpu.memory_space<vmem_shared>>
    %dma_start3A_286 = arith.constant 0 : i32
    %dma_start3A_287 = tpu.memref_slice %arg10[%dma_start3A_279, %dma_start3A_280, %dma_start3A_286] : memref<2x125x128xf32, #tpu.memory_space<vmem>> -> memref<1x1x128xf32, #tpu.memory_space<vmem>>
    %dma_start3A_288 = tpu.memref_squeeze %dma_start3A_287 : memref<1x1x128xf32, #tpu.memory_space<vmem>> -> memref<128xf32, #tpu.memory_space<vmem>>
    tpu.enqueue_dma source(%dma_start3A_288 : memref<128xf32, #tpu.memory_space<vmem>>) target(%dma_start3A_285 : memref<128xf32, #tpu.memory_space<vmem_shared>>) target_semaphore(%arg15 : memref<!tpu.dma_semaphore, #tpu.memory_space<semaphore_mem>>)
    %add3A_289 = arith.constant 256 : i32
    %add3A_290 = arith.addi %mul3A_115, %add3A_289 : i32
    %dma_start3A_291 = arith.constant 0 : i32
    %dma_start3A_292 = arith.constant 0 : i32
    %dma_start3A_293 = arith.constant 0 : i32
    %dma_start3A_294 = tpu.memref_slice %arg10[%dma_start3A_291, %dma_start3A_292, %dma_start3A_293] : memref<2x125x128xf32, #tpu.memory_space<vmem>> -> memref<1x1x128xf32, #tpu.memory_space<vmem>>
    %dma_start3A_295 = tpu.memref_squeeze %dma_start3A_294 : memref<1x1x128xf32, #tpu.memory_space<vmem>> -> memref<128xf32, #tpu.memory_space<vmem>>
    %dma_start3A_296 = tpu.memref_slice %arg13[%add3A_290] : memref<10240xf32, #tpu.memory_space<vmem_shared>> -> memref<128xf32, #tpu.memory_space<vmem_shared>>
    %dma_start3A_297 = tpu.memref_slice %arg13[%add3A_290] : memref<10240xf32, #tpu.memory_space<vmem_shared>> -> memref<128xf32, #tpu.memory_space<vmem_shared>>
    %dma_start3A_298 = arith.constant 0 : i32
    %dma_start3A_299 = tpu.memref_slice %arg10[%dma_start3A_291, %dma_start3A_292, %dma_start3A_298] : memref<2x125x128xf32, #tpu.memory_space<vmem>> -> memref<1x1x128xf32, #tpu.memory_space<vmem>>
    %dma_start3A_300 = tpu.memref_squeeze %dma_start3A_299 : memref<1x1x128xf32, #tpu.memory_space<vmem>> -> memref<128xf32, #tpu.memory_space<vmem>>
    tpu.enqueue_dma source(%dma_start3A_300 : memref<128xf32, #tpu.memory_space<vmem>>) target(%dma_start3A_297 : memref<128xf32, #tpu.memory_space<vmem_shared>>) target_semaphore(%arg15 : memref<!tpu.dma_semaphore, #tpu.memory_space<semaphore_mem>>)
    %add3A_301 = arith.constant 384 : i32
    %add3A_302 = arith.addi %mul3A_115, %add3A_301 : i32
    %dma_start3A_303 = arith.constant 0 : i32
    %dma_start3A_304 = arith.constant 0 : i32
    %dma_start3A_305 = arith.constant 0 : i32
    %dma_start3A_306 = tpu.memref_slice %arg10[%dma_start3A_303, %dma_start3A_304, %dma_start3A_305] : memref<2x125x128xf32, #tpu.memory_space<vmem>> -> memref<1x1x128xf32, #tpu.memory_space<vmem>>
    %dma_start3A_307 = tpu.memref_squeeze %dma_start3A_306 : memref<1x1x128xf32, #tpu.memory_space<vmem>> -> memref<128xf32, #tpu.memory_space<vmem>>
    %dma_start3A_308 = tpu.memref_slice %arg13[%add3A_302] : memref<10240xf32, #tpu.memory_space<vmem_shared>> -> memref<128xf32, #tpu.memory_space<vmem_shared>>
    %dma_start3A_309 = tpu.memref_slice %arg13[%add3A_302] : memref<10240xf32, #tpu.memory_space<vmem_shared>> -> memref<128xf32, #tpu.memory_space<vmem_shared>>
    %dma_start3A_310 = arith.constant 0 : i32
    %dma_start3A_311 = tpu.memref_slice %arg10[%dma_start3A_303, %dma_start3A_304, %dma_start3A_310] : memref<2x125x128xf32, #tpu.memory_space<vmem>> -> memref<1x1x128xf32, #tpu.memory_space<vmem>>
    %dma_start3A_312 = tpu.memref_squeeze %dma_start3A_311 : memref<1x1x128xf32, #tpu.memory_space<vmem>> -> memref<128xf32, #tpu.memory_space<vmem>>
    tpu.enqueue_dma source(%dma_start3A_312 : memref<128xf32, #tpu.memory_space<vmem>>) target(%dma_start3A_309 : memref<128xf32, #tpu.memory_space<vmem_shared>>) target_semaphore(%arg15 : memref<!tpu.dma_semaphore, #tpu.memory_space<semaphore_mem>>)
    %add3A_313 = arith.constant 512 : i32
    %add3A_314 = arith.addi %mul3A_115, %add3A_313 : i32
    %dma_start3A_315 = arith.constant 0 : i32
    %dma_start3A_316 = arith.constant 0 : i32
    %dma_start3A_317 = arith.constant 0 : i32
    %dma_start3A_318 = tpu.memref_slice %arg10[%dma_start3A_315, %dma_start3A_316, %dma_start3A_317] : memref<2x125x128xf32, #tpu.memory_space<vmem>> -> memref<1x1x128xf32, #tpu.memory_space<vmem>>
    %dma_start3A_319 = tpu.memref_squeeze %dma_start3A_318 : memref<1x1x128xf32, #tpu.memory_space<vmem>> -> memref<128xf32, #tpu.memory_space<vmem>>
    %dma_start3A_320 = tpu.memref_slice %arg13[%add3A_314] : memref<10240xf32, #tpu.memory_space<vmem_shared>> -> memref<128xf32, #tpu.memory_space<vmem_shared>>
    %dma_start3A_321 = tpu.memref_slice %arg13[%add3A_314] : memref<10240xf32, #tpu.memory_space<vmem_shared>> -> memref<128xf32, #tpu.memory_space<vmem_shared>>
    %dma_start3A_322 = arith.constant 0 : i32
    %dma_start3A_323 = tpu.memref_slice %arg10[%dma_start3A_315, %dma_start3A_316, %dma_start3A_322] : memref<2x125x128xf32, #tpu.memory_space<vmem>> -> memref<1x1x128xf32, #tpu.memory_space<vmem>>
    %dma_start3A_324 = tpu.memref_squeeze %dma_start3A_323 : memref<1x1x128xf32, #tpu.memory_space<vmem>> -> memref<128xf32, #tpu.memory_space<vmem>>
    tpu.enqueue_dma source(%dma_start3A_324 : memref<128xf32, #tpu.memory_space<vmem>>) target(%dma_start3A_321 : memref<128xf32, #tpu.memory_space<vmem_shared>>) target_semaphore(%arg15 : memref<!tpu.dma_semaphore, #tpu.memory_space<semaphore_mem>>)
    %dma_start3A_325 = arith.constant 0 : i32
    %dma_start3A_326 = arith.constant 0 : i32
    %dma_start3A_327 = arith.constant 0 : i32
    %dma_start3A_328 = arith.constant 0 : i32
    %dma_start3A_329 = tpu.memref_slice %arg2[%dma_start3A_325, %dma_start3A_326, %multiple_of3A, %dma_start3A_328] : memref<1x2x1280x125xi32, #tpu.memory_space<hbm>> -> memref<1x1x56x125xi32, #tpu.memory_space<hbm>>
    %dma_start3A_330 = tpu.memref_squeeze %dma_start3A_329 : memref<1x1x56x125xi32, #tpu.memory_space<hbm>> -> memref<56x125xi32, #tpu.memory_space<hbm>>
    %dma_start3A_331 = tpu.memref_slice %arg14[%dma_start3A_327] : memref<2x!tpu.dma_semaphore, #tpu.memory_space<semaphore_mem>> -> memref<1x!tpu.dma_semaphore, #tpu.memory_space<semaphore_mem>>
    %dma_start3A_332 = tpu.memref_squeeze %dma_start3A_331 : memref<1x!tpu.dma_semaphore, #tpu.memory_space<semaphore_mem>> -> memref<!tpu.dma_semaphore, #tpu.memory_space<semaphore_mem>>
    %dma_start3A_333 = arith.constant 0 : i32
    %dma_start3A_334 = tpu.memref_slice %arg2[%dma_start3A_325, %dma_start3A_326, %multiple_of3A, %dma_start3A_333] : memref<1x2x1280x125xi32, #tpu.memory_space<hbm>> -> memref<1x1x56x125xi32, #tpu.memory_space<hbm>>
    %dma_start3A_335 = tpu.memref_squeeze %dma_start3A_334 : memref<1x1x56x125xi32, #tpu.memory_space<hbm>> -> memref<56x125xi32, #tpu.memory_space<hbm>>
    tpu.enqueue_dma source(%dma_start3A_335 : memref<56x125xi32, #tpu.memory_space<hbm>>) target(%arg8 : memref<56x125xi32, #tpu.memory_space<vmem>>) target_semaphore(%dma_start3A_332 : memref<!tpu.dma_semaphore, #tpu.memory_space<semaphore_mem>>)
    %dma_start3A_336 = arith.constant 0 : i32
    %dma_start3A_337 = arith.constant 1 : i32
    %dma_start3A_338 = arith.constant 1 : i32
    %dma_start3A_339 = arith.constant 0 : i32
    %dma_start3A_340 = tpu.memref_slice %arg2[%dma_start3A_336, %dma_start3A_337, %multiple_of3A, %dma_start3A_339] : memref<1x2x1280x125xi32, #tpu.memory_space<hbm>> -> memref<1x1x56x125xi32, #tpu.memory_space<hbm>>
    %dma_start3A_341 = tpu.memref_squeeze %dma_start3A_340 : memref<1x1x56x125xi32, #tpu.memory_space<hbm>> -> memref<56x125xi32, #tpu.memory_space<hbm>>
    %dma_start3A_342 = tpu.memref_slice %arg14[%dma_start3A_338] : memref<2x!tpu.dma_semaphore, #tpu.memory_space<semaphore_mem>> -> memref<1x!tpu.dma_semaphore, #tpu.memory_space<semaphore_mem>>
    %dma_start3A_343 = tpu.memref_squeeze %dma_start3A_342 : memref<1x!tpu.dma_semaphore, #tpu.memory_space<semaphore_mem>> -> memref<!tpu.dma_semaphore, #tpu.memory_space<semaphore_mem>>
    %dma_start3A_344 = arith.constant 0 : i32
    %dma_start3A_345 = tpu.memref_slice %arg2[%dma_start3A_336, %dma_start3A_337, %multiple_of3A, %dma_start3A_344] : memref<1x2x1280x125xi32, #tpu.memory_space<hbm>> -> memref<1x1x56x125xi32, #tpu.memory_space<hbm>>
    %dma_start3A_346 = tpu.memref_squeeze %dma_start3A_345 : memref<1x1x56x125xi32, #tpu.memory_space<hbm>> -> memref<56x125xi32, #tpu.memory_space<hbm>>
    tpu.enqueue_dma source(%dma_start3A_346 : memref<56x125xi32, #tpu.memory_space<hbm>>) target(%arg9 : memref<56x125xi32, #tpu.memory_space<vmem>>) target_semaphore(%dma_start3A_343 : memref<!tpu.dma_semaphore, #tpu.memory_space<semaphore_mem>>)
    %add3A_347 = arith.constant 0 : i32
    %add3A_348 = arith.addi %mul3A_115, %add3A_347 : i32
    %dma_wait3A = arith.constant 0 : i32
    %dma_wait3A_349 = arith.constant 0 : i32
    %dma_wait3A_350 = arith.constant 0 : i32
    %dma_wait3A_351 = tpu.memref_slice %arg10[%dma_wait3A, %dma_wait3A_349, %dma_wait3A_350] : memref<2x125x128xf32, #tpu.memory_space<vmem>> -> memref<1x64x128xf32, #tpu.memory_space<vmem>>
    %dma_wait3A_352 = tpu.memref_squeeze %dma_wait3A_351 : memref<1x64x128xf32, #tpu.memory_space<vmem>> -> memref<64x128xf32, #tpu.memory_space<vmem>>
    %dma_wait3A_353 = arith.constant 0 : i32
    %dma_wait3A_354 = tpu.memref_slice %arg12[%add3A_348, %dma_wait3A_353] : memref<10240x128xf32, #tpu.memory_space<vmem_shared>> -> memref<64x128xf32, #tpu.memory_space<vmem_shared>>
    %dma_wait3A_355 = arith.constant 0 : i32
    %dma_wait3A_356 = tpu.memref_slice %arg12[%add3A_348, %dma_wait3A_355] : memref<10240x128xf32, #tpu.memory_space<vmem_shared>> -> memref<64x128xf32, #tpu.memory_space<vmem_shared>>
    %dma_wait3A_357 = arith.constant 0 : i32
    %dma_wait3A_358 = arith.constant 0 : i32
    %dma_wait3A_359 = tpu.memref_slice %arg10[%dma_wait3A, %dma_wait3A_357, %dma_wait3A_358] : memref<2x125x128xf32, #tpu.memory_space<vmem>> -> memref<1x64x128xf32, #tpu.memory_space<vmem>>
    %dma_wait3A_360 = tpu.memref_squeeze %dma_wait3A_359 : memref<1x64x128xf32, #tpu.memory_space<vmem>> -> memref<64x128xf32, #tpu.memory_space<vmem>>
    tpu.wait_dma2 semaphore(%arg15 : memref<!tpu.dma_semaphore, #tpu.memory_space<semaphore_mem>>) src(%dma_wait3A_360 : memref<64x128xf32, #tpu.memory_space<vmem>>) dst(%dma_wait3A_356 : memref<64x128xf32, #tpu.memory_space<vmem_shared>>)
    %add3A_361 = arith.constant 64 : i32
    %add3A_362 = arith.addi %mul3A_115, %add3A_361 : i32
    %dma_wait3A_363 = arith.constant 0 : i32
    %dma_wait3A_364 = arith.constant 0 : i32
    %dma_wait3A_365 = arith.constant 0 : i32
    %dma_wait3A_366 = tpu.memref_slice %arg10[%dma_wait3A_363, %dma_wait3A_364, %dma_wait3A_365] : memref<2x125x128xf32, #tpu.memory_space<vmem>> -> memref<1x64x128xf32, #tpu.memory_space<vmem>>
    %dma_wait3A_367 = tpu.memref_squeeze %dma_wait3A_366 : memref<1x64x128xf32, #tpu.memory_space<vmem>> -> memref<64x128xf32, #tpu.memory_space<vmem>>
    %dma_wait3A_368 = arith.constant 0 : i32
    %dma_wait3A_369 = tpu.memref_slice %arg12[%add3A_362, %dma_wait3A_368] : memref<10240x128xf32, #tpu.memory_space<vmem_shared>> -> memref<64x128xf32, #tpu.memory_space<vmem_shared>>
    %dma_wait3A_370 = arith.constant 0 : i32
    %dma_wait3A_371 = tpu.memref_slice %arg12[%add3A_362, %dma_wait3A_370] : memref<10240x128xf32, #tpu.memory_space<vmem_shared>> -> memref<64x128xf32, #tpu.memory_space<vmem_shared>>
    %dma_wait3A_372 = arith.constant 0 : i32
    %dma_wait3A_373 = arith.constant 0 : i32
    %dma_wait3A_374 = tpu.memref_slice %arg10[%dma_wait3A_363, %dma_wait3A_372, %dma_wait3A_373] : memref<2x125x128xf32, #tpu.memory_space<vmem>> -> memref<1x64x128xf32, #tpu.memory_space<vmem>>
    %dma_wait3A_375 = tpu.memref_squeeze %dma_wait3A_374 : memref<1x64x128xf32, #tpu.memory_space<vmem>> -> memref<64x128xf32, #tpu.memory_space<vmem>>
    tpu.wait_dma2 semaphore(%arg15 : memref<!tpu.dma_semaphore, #tpu.memory_space<semaphore_mem>>) src(%dma_wait3A_375 : memref<64x128xf32, #tpu.memory_space<vmem>>) dst(%dma_wait3A_371 : memref<64x128xf32, #tpu.memory_space<vmem_shared>>)
    %add3A_376 = arith.constant 128 : i32
    %add3A_377 = arith.addi %mul3A_115, %add3A_376 : i32
    %dma_wait3A_378 = arith.constant 0 : i32
    %dma_wait3A_379 = arith.constant 0 : i32
    %dma_wait3A_380 = arith.constant 0 : i32
    %dma_wait3A_381 = tpu.memref_slice %arg10[%dma_wait3A_378, %dma_wait3A_379, %dma_wait3A_380] : memref<2x125x128xf32, #tpu.memory_space<vmem>> -> memref<1x64x128xf32, #tpu.memory_space<vmem>>
    %dma_wait3A_382 = tpu.memref_squeeze %dma_wait3A_381 : memref<1x64x128xf32, #tpu.memory_space<vmem>> -> memref<64x128xf32, #tpu.memory_space<vmem>>
    %dma_wait3A_383 = arith.constant 0 : i32
    %dma_wait3A_384 = tpu.memref_slice %arg12[%add3A_377, %dma_wait3A_383] : memref<10240x128xf32, #tpu.memory_space<vmem_shared>> -> memref<64x128xf32, #tpu.memory_space<vmem_shared>>
    %dma_wait3A_385 = arith.constant 0 : i32
    %dma_wait3A_386 = tpu.memref_slice %arg12[%add3A_377, %dma_wait3A_385] : memref<10240x128xf32, #tpu.memory_space<vmem_shared>> -> memref<64x128xf32, #tpu.memory_space<vmem_shared>>
    %dma_wait3A_387 = arith.constant 0 : i32
    %dma_wait3A_388 = arith.constant 0 : i32
    %dma_wait3A_389 = tpu.memref_slice %arg10[%dma_wait3A_378, %dma_wait3A_387, %dma_wait3A_388] : memref<2x125x128xf32, #tpu.memory_space<vmem>> -> memref<1x64x128xf32, #tpu.memory_space<vmem>>
    %dma_wait3A_390 = tpu.memref_squeeze %dma_wait3A_389 : memref<1x64x128xf32, #tpu.memory_space<vmem>> -> memref<64x128xf32, #tpu.memory_space<vmem>>
    tpu.wait_dma2 semaphore(%arg15 : memref<!tpu.dma_semaphore, #tpu.memory_space<semaphore_mem>>) src(%dma_wait3A_390 : memref<64x128xf32, #tpu.memory_space<vmem>>) dst(%dma_wait3A_386 : memref<64x128xf32, #tpu.memory_space<vmem_shared>>)
    %add3A_391 = arith.constant 192 : i32
    %add3A_392 = arith.addi %mul3A_115, %add3A_391 : i32
    %dma_wait3A_393 = arith.constant 0 : i32
    %dma_wait3A_394 = arith.constant 0 : i32
    %dma_wait3A_395 = arith.constant 0 : i32
    %dma_wait3A_396 = tpu.memref_slice %arg10[%dma_wait3A_393, %dma_wait3A_394, %dma_wait3A_395] : memref<2x125x128xf32, #tpu.memory_space<vmem>> -> memref<1x64x128xf32, #tpu.memory_space<vmem>>
    %dma_wait3A_397 = tpu.memref_squeeze %dma_wait3A_396 : memref<1x64x128xf32, #tpu.memory_space<vmem>> -> memref<64x128xf32, #tpu.memory_space<vmem>>
    %dma_wait3A_398 = arith.constant 0 : i32
    %dma_wait3A_399 = tpu.memref_slice %arg12[%add3A_392, %dma_wait3A_398] : memref<10240x128xf32, #tpu.memory_space<vmem_shared>> -> memref<64x128xf32, #tpu.memory_space<vmem_shared>>
    %dma_wait3A_400 = arith.constant 0 : i32
    %dma_wait3A_401 = tpu.memref_slice %arg12[%add3A_392, %dma_wait3A_400] : memref<10240x128xf32, #tpu.memory_space<vmem_shared>> -> memref<64x128xf32, #tpu.memory_space<vmem_shared>>
    %dma_wait3A_402 = arith.constant 0 : i32
    %dma_wait3A_403 = arith.constant 0 : i32
    %dma_wait3A_404 = tpu.memref_slice %arg10[%dma_wait3A_393, %dma_wait3A_402, %dma_wait3A_403] : memref<2x125x128xf32, #tpu.memory_space<vmem>> -> memref<1x64x128xf32, #tpu.memory_space<vmem>>
    %dma_wait3A_405 = tpu.memref_squeeze %dma_wait3A_404 : memref<1x64x128xf32, #tpu.memory_space<vmem>> -> memref<64x128xf32, #tpu.memory_space<vmem>>
    tpu.wait_dma2 semaphore(%arg15 : memref<!tpu.dma_semaphore, #tpu.memory_space<semaphore_mem>>) src(%dma_wait3A_405 : memref<64x128xf32, #tpu.memory_space<vmem>>) dst(%dma_wait3A_401 : memref<64x128xf32, #tpu.memory_space<vmem_shared>>)
    %add3A_406 = arith.constant 256 : i32
    %add3A_407 = arith.addi %mul3A_115, %add3A_406 : i32
    %dma_wait3A_408 = arith.constant 0 : i32
    %dma_wait3A_409 = arith.constant 0 : i32
    %dma_wait3A_410 = arith.constant 0 : i32
    %dma_wait3A_411 = tpu.memref_slice %arg10[%dma_wait3A_408, %dma_wait3A_409, %dma_wait3A_410] : memref<2x125x128xf32, #tpu.memory_space<vmem>> -> memref<1x64x128xf32, #tpu.memory_space<vmem>>
    %dma_wait3A_412 = tpu.memref_squeeze %dma_wait3A_411 : memref<1x64x128xf32, #tpu.memory_space<vmem>> -> memref<64x128xf32, #tpu.memory_space<vmem>>
    %dma_wait3A_413 = arith.constant 0 : i32
    %dma_wait3A_414 = tpu.memref_slice %arg12[%add3A_407, %dma_wait3A_413] : memref<10240x128xf32, #tpu.memory_space<vmem_shared>> -> memref<64x128xf32, #tpu.memory_space<vmem_shared>>
    %dma_wait3A_415 = arith.constant 0 : i32
    %dma_wait3A_416 = tpu.memref_slice %arg12[%add3A_407, %dma_wait3A_415] : memref<10240x128xf32, #tpu.memory_space<vmem_shared>> -> memref<64x128xf32, #tpu.memory_space<vmem_shared>>
    %dma_wait3A_417 = arith.constant 0 : i32
    %dma_wait3A_418 = arith.constant 0 : i32
    %dma_wait3A_419 = tpu.memref_slice %arg10[%dma_wait3A_408, %dma_wait3A_417, %dma_wait3A_418] : memref<2x125x128xf32, #tpu.memory_space<vmem>> -> memref<1x64x128xf32, #tpu.memory_space<vmem>>
    %dma_wait3A_420 = tpu.memref_squeeze %dma_wait3A_419 : memref<1x64x128xf32, #tpu.memory_space<vmem>> -> memref<64x128xf32, #tpu.memory_space<vmem>>
    tpu.wait_dma2 semaphore(%arg15 : memref<!tpu.dma_semaphore, #tpu.memory_space<semaphore_mem>>) src(%dma_wait3A_420 : memref<64x128xf32, #tpu.memory_space<vmem>>) dst(%dma_wait3A_416 : memref<64x128xf32, #tpu.memory_space<vmem_shared>>)
    %add3A_421 = arith.constant 320 : i32
    %add3A_422 = arith.addi %mul3A_115, %add3A_421 : i32
    %dma_wait3A_423 = arith.constant 0 : i32
    %dma_wait3A_424 = arith.constant 0 : i32
    %dma_wait3A_425 = arith.constant 0 : i32
    %dma_wait3A_426 = tpu.memref_slice %arg10[%dma_wait3A_423, %dma_wait3A_424, %dma_wait3A_425] : memref<2x125x128xf32, #tpu.memory_space<vmem>> -> memref<1x64x128xf32, #tpu.memory_space<vmem>>
    %dma_wait3A_427 = tpu.memref_squeeze %dma_wait3A_426 : memref<1x64x128xf32, #tpu.memory_space<vmem>> -> memref<64x128xf32, #tpu.memory_space<vmem>>
    %dma_wait3A_428 = arith.constant 0 : i32
    %dma_wait3A_429 = tpu.memref_slice %arg12[%add3A_422, %dma_wait3A_428] : memref<10240x128xf32, #tpu.memory_space<vmem_shared>> -> memref<64x128xf32, #tpu.memory_space<vmem_shared>>
    %dma_wait3A_430 = arith.constant 0 : i32
    %dma_wait3A_431 = tpu.memref_slice %arg12[%add3A_422, %dma_wait3A_430] : memref<10240x128xf32, #tpu.memory_space<vmem_shared>> -> memref<64x128xf32, #tpu.memory_space<vmem_shared>>
    %dma_wait3A_432 = arith.constant 0 : i32
    %dma_wait3A_433 = arith.constant 0 : i32
    %dma_wait3A_434 = tpu.memref_slice %arg10[%dma_wait3A_423, %dma_wait3A_432, %dma_wait3A_433] : memref<2x125x128xf32, #tpu.memory_space<vmem>> -> memref<1x64x128xf32, #tpu.memory_space<vmem>>
    %dma_wait3A_435 = tpu.memref_squeeze %dma_wait3A_434 : memref<1x64x128xf32, #tpu.memory_space<vmem>> -> memref<64x128xf32, #tpu.memory_space<vmem>>
    tpu.wait_dma2 semaphore(%arg15 : memref<!tpu.dma_semaphore, #tpu.memory_space<semaphore_mem>>) src(%dma_wait3A_435 : memref<64x128xf32, #tpu.memory_space<vmem>>) dst(%dma_wait3A_431 : memref<64x128xf32, #tpu.memory_space<vmem_shared>>)
    %add3A_436 = arith.constant 384 : i32
    %add3A_437 = arith.addi %mul3A_115, %add3A_436 : i32
    %dma_wait3A_438 = arith.constant 0 : i32
    %dma_wait3A_439 = arith.constant 0 : i32
    %dma_wait3A_440 = arith.constant 0 : i32
    %dma_wait3A_441 = tpu.memref_slice %arg10[%dma_wait3A_438, %dma_wait3A_439, %dma_wait3A_440] : memref<2x125x128xf32, #tpu.memory_space<vmem>> -> memref<1x64x128xf32, #tpu.memory_space<vmem>>
    %dma_wait3A_442 = tpu.memref_squeeze %dma_wait3A_441 : memref<1x64x128xf32, #tpu.memory_space<vmem>> -> memref<64x128xf32, #tpu.memory_space<vmem>>
    %dma_wait3A_443 = arith.constant 0 : i32
    %dma_wait3A_444 = tpu.memref_slice %arg12[%add3A_437, %dma_wait3A_443] : memref<10240x128xf32, #tpu.memory_space<vmem_shared>> -> memref<64x128xf32, #tpu.memory_space<vmem_shared>>
    %dma_wait3A_445 = arith.constant 0 : i32
    %dma_wait3A_446 = tpu.memref_slice %arg12[%add3A_437, %dma_wait3A_445] : memref<10240x128xf32, #tpu.memory_space<vmem_shared>> -> memref<64x128xf32, #tpu.memory_space<vmem_shared>>
    %dma_wait3A_447 = arith.constant 0 : i32
    %dma_wait3A_448 = arith.constant 0 : i32
    %dma_wait3A_449 = tpu.memref_slice %arg10[%dma_wait3A_438, %dma_wait3A_447, %dma_wait3A_448] : memref<2x125x128xf32, #tpu.memory_space<vmem>> -> memref<1x64x128xf32, #tpu.memory_space<vmem>>
    %dma_wait3A_450 = tpu.memref_squeeze %dma_wait3A_449 : memref<1x64x128xf32, #tpu.memory_space<vmem>> -> memref<64x128xf32, #tpu.memory_space<vmem>>
    tpu.wait_dma2 semaphore(%arg15 : memref<!tpu.dma_semaphore, #tpu.memory_space<semaphore_mem>>) src(%dma_wait3A_450 : memref<64x128xf32, #tpu.memory_space<vmem>>) dst(%dma_wait3A_446 : memref<64x128xf32, #tpu.memory_space<vmem_shared>>)
    %add3A_451 = arith.constant 448 : i32
    %add3A_452 = arith.addi %mul3A_115, %add3A_451 : i32
    %dma_wait3A_453 = arith.constant 0 : i32
    %dma_wait3A_454 = arith.constant 0 : i32
    %dma_wait3A_455 = arith.constant 0 : i32
    %dma_wait3A_456 = tpu.memref_slice %arg10[%dma_wait3A_453, %dma_wait3A_454, %dma_wait3A_455] : memref<2x125x128xf32, #tpu.memory_space<vmem>> -> memref<1x64x128xf32, #tpu.memory_space<vmem>>
    %dma_wait3A_457 = tpu.memref_squeeze %dma_wait3A_456 : memref<1x64x128xf32, #tpu.memory_space<vmem>> -> memref<64x128xf32, #tpu.memory_space<vmem>>
    %dma_wait3A_458 = arith.constant 0 : i32
    %dma_wait3A_459 = tpu.memref_slice %arg12[%add3A_452, %dma_wait3A_458] : memref<10240x128xf32, #tpu.memory_space<vmem_shared>> -> memref<64x128xf32, #tpu.memory_space<vmem_shared>>
    %dma_wait3A_460 = arith.constant 0 : i32
    %dma_wait3A_461 = tpu.memref_slice %arg12[%add3A_452, %dma_wait3A_460] : memref<10240x128xf32, #tpu.memory_space<vmem_shared>> -> memref<64x128xf32, #tpu.memory_space<vmem_shared>>
    %dma_wait3A_462 = arith.constant 0 : i32
    %dma_wait3A_463 = arith.constant 0 : i32
    %dma_wait3A_464 = tpu.memref_slice %arg10[%dma_wait3A_453, %dma_wait3A_462, %dma_wait3A_463] : memref<2x125x128xf32, #tpu.memory_space<vmem>> -> memref<1x64x128xf32, #tpu.memory_space<vmem>>
    %dma_wait3A_465 = tpu.memref_squeeze %dma_wait3A_464 : memref<1x64x128xf32, #tpu.memory_space<vmem>> -> memref<64x128xf32, #tpu.memory_space<vmem>>
    tpu.wait_dma2 semaphore(%arg15 : memref<!tpu.dma_semaphore, #tpu.memory_space<semaphore_mem>>) src(%dma_wait3A_465 : memref<64x128xf32, #tpu.memory_space<vmem>>) dst(%dma_wait3A_461 : memref<64x128xf32, #tpu.memory_space<vmem_shared>>)
    %add3A_466 = arith.constant 512 : i32
    %add3A_467 = arith.addi %mul3A_115, %add3A_466 : i32
    %dma_wait3A_468 = arith.constant 0 : i32
    %dma_wait3A_469 = arith.constant 0 : i32
    %dma_wait3A_470 = arith.constant 0 : i32
    %dma_wait3A_471 = tpu.memref_slice %arg10[%dma_wait3A_468, %dma_wait3A_469, %dma_wait3A_470] : memref<2x125x128xf32, #tpu.memory_space<vmem>> -> memref<1x64x128xf32, #tpu.memory_space<vmem>>
    %dma_wait3A_472 = tpu.memref_squeeze %dma_wait3A_471 : memref<1x64x128xf32, #tpu.memory_space<vmem>> -> memref<64x128xf32, #tpu.memory_space<vmem>>
    %dma_wait3A_473 = arith.constant 0 : i32
    %dma_wait3A_474 = tpu.memref_slice %arg12[%add3A_467, %dma_wait3A_473] : memref<10240x128xf32, #tpu.memory_space<vmem_shared>> -> memref<64x128xf32, #tpu.memory_space<vmem_shared>>
    %dma_wait3A_475 = arith.constant 0 : i32
    %dma_wait3A_476 = tpu.memref_slice %arg12[%add3A_467, %dma_wait3A_475] : memref<10240x128xf32, #tpu.memory_space<vmem_shared>> -> memref<64x128xf32, #tpu.memory_space<vmem_shared>>
    %dma_wait3A_477 = arith.constant 0 : i32
    %dma_wait3A_478 = arith.constant 0 : i32
    %dma_wait3A_479 = tpu.memref_slice %arg10[%dma_wait3A_468, %dma_wait3A_477, %dma_wait3A_478] : memref<2x125x128xf32, #tpu.memory_space<vmem>> -> memref<1x64x128xf32, #tpu.memory_space<vmem>>
    %dma_wait3A_480 = tpu.memref_squeeze %dma_wait3A_479 : memref<1x64x128xf32, #tpu.memory_space<vmem>> -> memref<64x128xf32, #tpu.memory_space<vmem>>
    tpu.wait_dma2 semaphore(%arg15 : memref<!tpu.dma_semaphore, #tpu.memory_space<semaphore_mem>>) src(%dma_wait3A_480 : memref<64x128xf32, #tpu.memory_space<vmem>>) dst(%dma_wait3A_476 : memref<64x128xf32, #tpu.memory_space<vmem_shared>>)
    %add3A_481 = arith.constant 576 : i32
    %add3A_482 = arith.addi %mul3A_115, %add3A_481 : i32
    %dma_wait3A_483 = arith.constant 0 : i32
    %dma_wait3A_484 = arith.constant 0 : i32
    %dma_wait3A_485 = arith.constant 0 : i32
    %dma_wait3A_486 = tpu.memref_slice %arg10[%dma_wait3A_483, %dma_wait3A_484, %dma_wait3A_485] : memref<2x125x128xf32, #tpu.memory_space<vmem>> -> memref<1x64x128xf32, #tpu.memory_space<vmem>>
    %dma_wait3A_487 = tpu.memref_squeeze %dma_wait3A_486 : memref<1x64x128xf32, #tpu.memory_space<vmem>> -> memref<64x128xf32, #tpu.memory_space<vmem>>
    %dma_wait3A_488 = arith.constant 0 : i32
    %dma_wait3A_489 = tpu.memref_slice %arg12[%add3A_482, %dma_wait3A_488] : memref<10240x128xf32, #tpu.memory_space<vmem_shared>> -> memref<64x128xf32, #tpu.memory_space<vmem_shared>>
    %dma_wait3A_490 = arith.constant 0 : i32
    %dma_wait3A_491 = tpu.memref_slice %arg12[%add3A_482, %dma_wait3A_490] : memref<10240x128xf32, #tpu.memory_space<vmem_shared>> -> memref<64x128xf32, #tpu.memory_space<vmem_shared>>
    %dma_wait3A_492 = arith.constant 0 : i32
    %dma_wait3A_493 = arith.constant 0 : i32
    %dma_wait3A_494 = tpu.memref_slice %arg10[%dma_wait3A_483, %dma_wait3A_492, %dma_wait3A_493] : memref<2x125x128xf32, #tpu.memory_space<vmem>> -> memref<1x64x128xf32, #tpu.memory_space<vmem>>
    %dma_wait3A_495 = tpu.memref_squeeze %dma_wait3A_494 : memref<1x64x128xf32, #tpu.memory_space<vmem>> -> memref<64x128xf32, #tpu.memory_space<vmem>>
    tpu.wait_dma2 semaphore(%arg15 : memref<!tpu.dma_semaphore, #tpu.memory_space<semaphore_mem>>) src(%dma_wait3A_495 : memref<64x128xf32, #tpu.memory_space<vmem>>) dst(%dma_wait3A_491 : memref<64x128xf32, #tpu.memory_space<vmem_shared>>)
    %add3A_496 = arith.constant 0 : i32
    %add3A_497 = arith.addi %mul3A_115, %add3A_496 : i32
    %dma_wait3A_498 = arith.constant 0 : i32
    %dma_wait3A_499 = arith.constant 0 : i32
    %dma_wait3A_500 = arith.constant 0 : i32
    %dma_wait3A_501 = tpu.memref_slice %arg10[%dma_wait3A_498, %dma_wait3A_499, %dma_wait3A_500] : memref<2x125x128xf32, #tpu.memory_space<vmem>> -> memref<1x1x128xf32, #tpu.memory_space<vmem>>
    %dma_wait3A_502 = tpu.memref_squeeze %dma_wait3A_501 : memref<1x1x128xf32, #tpu.memory_space<vmem>> -> memref<128xf32, #tpu.memory_space<vmem>>
    %dma_wait3A_503 = tpu.memref_slice %arg13[%add3A_497] : memref<10240xf32, #tpu.memory_space<vmem_shared>> -> memref<128xf32, #tpu.memory_space<vmem_shared>>
    %dma_wait3A_504 = tpu.memref_slice %arg13[%add3A_497] : memref<10240xf32, #tpu.memory_space<vmem_shared>> -> memref<128xf32, #tpu.memory_space<vmem_shared>>
    %dma_wait3A_505 = arith.constant 0 : i32
    %dma_wait3A_506 = tpu.memref_slice %arg10[%dma_wait3A_498, %dma_wait3A_499, %dma_wait3A_505] : memref<2x125x128xf32, #tpu.memory_space<vmem>> -> memref<1x1x128xf32, #tpu.memory_space<vmem>>
    %dma_wait3A_507 = tpu.memref_squeeze %dma_wait3A_506 : memref<1x1x128xf32, #tpu.memory_space<vmem>> -> memref<128xf32, #tpu.memory_space<vmem>>
    tpu.wait_dma2 semaphore(%arg15 : memref<!tpu.dma_semaphore, #tpu.memory_space<semaphore_mem>>) src(%dma_wait3A_507 : memref<128xf32, #tpu.memory_space<vmem>>) dst(%dma_wait3A_504 : memref<128xf32, #tpu.memory_space<vmem_shared>>)
    %add3A_508 = arith.constant 128 : i32
    %add3A_509 = arith.addi %mul3A_115, %add3A_508 : i32
    %dma_wait3A_510 = arith.constant 0 : i32
    %dma_wait3A_511 = arith.constant 0 : i32
    %dma_wait3A_512 = arith.constant 0 : i32
    %dma_wait3A_513 = tpu.memref_slice %arg10[%dma_wait3A_510, %dma_wait3A_511, %dma_wait3A_512] : memref<2x125x128xf32, #tpu.memory_space<vmem>> -> memref<1x1x128xf32, #tpu.memory_space<vmem>>
    %dma_wait3A_514 = tpu.memref_squeeze %dma_wait3A_513 : memref<1x1x128xf32, #tpu.memory_space<vmem>> -> memref<128xf32, #tpu.memory_space<vmem>>
    %dma_wait3A_515 = tpu.memref_slice %arg13[%add3A_509] : memref<10240xf32, #tpu.memory_space<vmem_shared>> -> memref<128xf32, #tpu.memory_space<vmem_shared>>
    %dma_wait3A_516 = tpu.memref_slice %arg13[%add3A_509] : memref<10240xf32, #tpu.memory_space<vmem_shared>> -> memref<128xf32, #tpu.memory_space<vmem_shared>>
    %dma_wait3A_517 = arith.constant 0 : i32
    %dma_wait3A_518 = tpu.memref_slice %arg10[%dma_wait3A_510, %dma_wait3A_511, %dma_wait3A_517] : memref<2x125x128xf32, #tpu.memory_space<vmem>> -> memref<1x1x128xf32, #tpu.memory_space<vmem>>
    %dma_wait3A_519 = tpu.memref_squeeze %dma_wait3A_518 : memref<1x1x128xf32, #tpu.memory_space<vmem>> -> memref<128xf32, #tpu.memory_space<vmem>>
    tpu.wait_dma2 semaphore(%arg15 : memref<!tpu.dma_semaphore, #tpu.memory_space<semaphore_mem>>) src(%dma_wait3A_519 : memref<128xf32, #tpu.memory_space<vmem>>) dst(%dma_wait3A_516 : memref<128xf32, #tpu.memory_space<vmem_shared>>)
    %add3A_520 = arith.constant 256 : i32
    %add3A_521 = arith.addi %mul3A_115, %add3A_520 : i32
    %dma_wait3A_522 = arith.constant 0 : i32
    %dma_wait3A_523 = arith.constant 0 : i32
    %dma_wait3A_524 = arith.constant 0 : i32
    %dma_wait3A_525 = tpu.memref_slice %arg10[%dma_wait3A_522, %dma_wait3A_523, %dma_wait3A_524] : memref<2x125x128xf32, #tpu.memory_space<vmem>> -> memref<1x1x128xf32, #tpu.memory_space<vmem>>
    %dma_wait3A_526 = tpu.memref_squeeze %dma_wait3A_525 : memref<1x1x128xf32, #tpu.memory_space<vmem>> -> memref<128xf32, #tpu.memory_space<vmem>>
    %dma_wait3A_527 = tpu.memref_slice %arg13[%add3A_521] : memref<10240xf32, #tpu.memory_space<vmem_shared>> -> memref<128xf32, #tpu.memory_space<vmem_shared>>
    %dma_wait3A_528 = tpu.memref_slice %arg13[%add3A_521] : memref<10240xf32, #tpu.memory_space<vmem_shared>> -> memref<128xf32, #tpu.memory_space<vmem_shared>>
    %dma_wait3A_529 = arith.constant 0 : i32
    %dma_wait3A_530 = tpu.memref_slice %arg10[%dma_wait3A_522, %dma_wait3A_523, %dma_wait3A_529] : memref<2x125x128xf32, #tpu.memory_space<vmem>> -> memref<1x1x128xf32, #tpu.memory_space<vmem>>
    %dma_wait3A_531 = tpu.memref_squeeze %dma_wait3A_530 : memref<1x1x128xf32, #tpu.memory_space<vmem>> -> memref<128xf32, #tpu.memory_space<vmem>>
    tpu.wait_dma2 semaphore(%arg15 : memref<!tpu.dma_semaphore, #tpu.memory_space<semaphore_mem>>) src(%dma_wait3A_531 : memref<128xf32, #tpu.memory_space<vmem>>) dst(%dma_wait3A_528 : memref<128xf32, #tpu.memory_space<vmem_shared>>)
    %add3A_532 = arith.constant 384 : i32
    %add3A_533 = arith.addi %mul3A_115, %add3A_532 : i32
    %dma_wait3A_534 = arith.constant 0 : i32
    %dma_wait3A_535 = arith.constant 0 : i32
    %dma_wait3A_536 = arith.constant 0 : i32
    %dma_wait3A_537 = tpu.memref_slice %arg10[%dma_wait3A_534, %dma_wait3A_535, %dma_wait3A_536] : memref<2x125x128xf32, #tpu.memory_space<vmem>> -> memref<1x1x128xf32, #tpu.memory_space<vmem>>
    %dma_wait3A_538 = tpu.memref_squeeze %dma_wait3A_537 : memref<1x1x128xf32, #tpu.memory_space<vmem>> -> memref<128xf32, #tpu.memory_space<vmem>>
    %dma_wait3A_539 = tpu.memref_slice %arg13[%add3A_533] : memref<10240xf32, #tpu.memory_space<vmem_shared>> -> memref<128xf32, #tpu.memory_space<vmem_shared>>
    %dma_wait3A_540 = tpu.memref_slice %arg13[%add3A_533] : memref<10240xf32, #tpu.memory_space<vmem_shared>> -> memref<128xf32, #tpu.memory_space<vmem_shared>>
    %dma_wait3A_541 = arith.constant 0 : i32
    %dma_wait3A_542 = tpu.memref_slice %arg10[%dma_wait3A_534, %dma_wait3A_535, %dma_wait3A_541] : memref<2x125x128xf32, #tpu.memory_space<vmem>> -> memref<1x1x128xf32, #tpu.memory_space<vmem>>
    %dma_wait3A_543 = tpu.memref_squeeze %dma_wait3A_542 : memref<1x1x128xf32, #tpu.memory_space<vmem>> -> memref<128xf32, #tpu.memory_space<vmem>>
    tpu.wait_dma2 semaphore(%arg15 : memref<!tpu.dma_semaphore, #tpu.memory_space<semaphore_mem>>) src(%dma_wait3A_543 : memref<128xf32, #tpu.memory_space<vmem>>) dst(%dma_wait3A_540 : memref<128xf32, #tpu.memory_space<vmem_shared>>)
    %add3A_544 = arith.constant 512 : i32
    %add3A_545 = arith.addi %mul3A_115, %add3A_544 : i32
    %dma_wait3A_546 = arith.constant 0 : i32
    %dma_wait3A_547 = arith.constant 0 : i32
    %dma_wait3A_548 = arith.constant 0 : i32
    %dma_wait3A_549 = tpu.memref_slice %arg10[%dma_wait3A_546, %dma_wait3A_547, %dma_wait3A_548] : memref<2x125x128xf32, #tpu.memory_space<vmem>> -> memref<1x1x128xf32, #tpu.memory_space<vmem>>
    %dma_wait3A_550 = tpu.memref_squeeze %dma_wait3A_549 : memref<1x1x128xf32, #tpu.memory_space<vmem>> -> memref<128xf32, #tpu.memory_space<vmem>>
    %dma_wait3A_551 = tpu.memref_slice %arg13[%add3A_545] : memref<10240xf32, #tpu.memory_space<vmem_shared>> -> memref<128xf32, #tpu.memory_space<vmem_shared>>
    %dma_wait3A_552 = tpu.memref_slice %arg13[%add3A_545] : memref<10240xf32, #tpu.memory_space<vmem_shared>> -> memref<128xf32, #tpu.memory_space<vmem_shared>>
    %dma_wait3A_553 = arith.constant 0 : i32
    %dma_wait3A_554 = tpu.memref_slice %arg10[%dma_wait3A_546, %dma_wait3A_547, %dma_wait3A_553] : memref<2x125x128xf32, #tpu.memory_space<vmem>> -> memref<1x1x128xf32, #tpu.memory_space<vmem>>
    %dma_wait3A_555 = tpu.memref_squeeze %dma_wait3A_554 : memref<1x1x128xf32, #tpu.memory_space<vmem>> -> memref<128xf32, #tpu.memory_space<vmem>>
    tpu.wait_dma2 semaphore(%arg15 : memref<!tpu.dma_semaphore, #tpu.memory_space<semaphore_mem>>) src(%dma_wait3A_555 : memref<128xf32, #tpu.memory_space<vmem>>) dst(%dma_wait3A_552 : memref<128xf32, #tpu.memory_space<vmem_shared>>)
    %dma_wait3A_556 = arith.constant 0 : i32
    %dma_wait3A_557 = arith.constant 0 : i32
    %dma_wait3A_558 = arith.constant 0 : i32
    %dma_wait3A_559 = arith.constant 0 : i32
    %dma_wait3A_560 = tpu.memref_slice %arg2[%dma_wait3A_556, %dma_wait3A_557, %multiple_of3A, %dma_wait3A_559] : memref<1x2x1280x125xi32, #tpu.memory_space<hbm>> -> memref<1x1x56x125xi32, #tpu.memory_space<hbm>>
    %dma_wait3A_561 = tpu.memref_squeeze %dma_wait3A_560 : memref<1x1x56x125xi32, #tpu.memory_space<hbm>> -> memref<56x125xi32, #tpu.memory_space<hbm>>
    %dma_wait3A_562 = tpu.memref_slice %arg14[%dma_wait3A_558] : memref<2x!tpu.dma_semaphore, #tpu.memory_space<semaphore_mem>> -> memref<1x!tpu.dma_semaphore, #tpu.memory_space<semaphore_mem>>
    %dma_wait3A_563 = tpu.memref_squeeze %dma_wait3A_562 : memref<1x!tpu.dma_semaphore, #tpu.memory_space<semaphore_mem>> -> memref<!tpu.dma_semaphore, #tpu.memory_space<semaphore_mem>>
    %dma_wait3A_564 = arith.constant 0 : i32
    %dma_wait3A_565 = tpu.memref_slice %arg2[%dma_wait3A_556, %dma_wait3A_557, %multiple_of3A, %dma_wait3A_564] : memref<1x2x1280x125xi32, #tpu.memory_space<hbm>> -> memref<1x1x56x125xi32, #tpu.memory_space<hbm>>
    %dma_wait3A_566 = tpu.memref_squeeze %dma_wait3A_565 : memref<1x1x56x125xi32, #tpu.memory_space<hbm>> -> memref<56x125xi32, #tpu.memory_space<hbm>>
    tpu.wait_dma2 semaphore(%dma_wait3A_563 : memref<!tpu.dma_semaphore, #tpu.memory_space<semaphore_mem>>) src(%dma_wait3A_566 : memref<56x125xi32, #tpu.memory_space<hbm>>) dst(%arg8 : memref<56x125xi32, #tpu.memory_space<vmem>>)
    %dma_wait3A_567 = arith.constant 0 : i32
    %dma_wait3A_568 = arith.constant 1 : i32
    %dma_wait3A_569 = arith.constant 1 : i32
    %dma_wait3A_570 = arith.constant 0 : i32
    %dma_wait3A_571 = tpu.memref_slice %arg2[%dma_wait3A_567, %dma_wait3A_568, %multiple_of3A, %dma_wait3A_570] : memref<1x2x1280x125xi32, #tpu.memory_space<hbm>> -> memref<1x1x56x125xi32, #tpu.memory_space<hbm>>
    %dma_wait3A_572 = tpu.memref_squeeze %dma_wait3A_571 : memref<1x1x56x125xi32, #tpu.memory_space<hbm>> -> memref<56x125xi32, #tpu.memory_space<hbm>>
    %dma_wait3A_573 = tpu.memref_slice %arg14[%dma_wait3A_569] : memref<2x!tpu.dma_semaphore, #tpu.memory_space<semaphore_mem>> -> memref<1x!tpu.dma_semaphore, #tpu.memory_space<semaphore_mem>>
    %dma_wait3A_574 = tpu.memref_squeeze %dma_wait3A_573 : memref<1x!tpu.dma_semaphore, #tpu.memory_space<semaphore_mem>> -> memref<!tpu.dma_semaphore, #tpu.memory_space<semaphore_mem>>
    %dma_wait3A_575 = arith.constant 0 : i32
    %dma_wait3A_576 = tpu.memref_slice %arg2[%dma_wait3A_567, %dma_wait3A_568, %multiple_of3A, %dma_wait3A_575] : memref<1x2x1280x125xi32, #tpu.memory_space<hbm>> -> memref<1x1x56x125xi32, #tpu.memory_space<hbm>>
    %dma_wait3A_577 = tpu.memref_squeeze %dma_wait3A_576 : memref<1x1x56x125xi32, #tpu.memory_space<hbm>> -> memref<56x125xi32, #tpu.memory_space<hbm>>
    tpu.wait_dma2 semaphore(%dma_wait3A_574 : memref<!tpu.dma_semaphore, #tpu.memory_space<semaphore_mem>>) src(%dma_wait3A_577 : memref<56x125xi32, #tpu.memory_space<hbm>>) dst(%arg9 : memref<56x125xi32, #tpu.memory_space<vmem>>)
    %dma_start3A_578 = arith.constant 0 : i32
    %dma_start3A_579 = arith.constant 0 : i32
    %dma_start3A_580 = arith.constant 0 : i32
    %dma_start3A_581 = arith.constant 0 : i32
    %dma_start3A_582 = tpu.memref_slice %arg10[%dma_start3A_578, %dma_start3A_580, %dma_start3A_581] : memref<2x125x128xf32, #tpu.memory_space<vmem>> -> memref<1x125x128xf32, #tpu.memory_space<vmem>>
    %dma_start3A_583 = tpu.memref_squeeze %dma_start3A_582 : memref<1x125x128xf32, #tpu.memory_space<vmem>> -> memref<125x128xf32, #tpu.memory_space<vmem>>
    %dma_start3A_584 = arith.constant 0 : i32
    %dma_start3A_585 = tpu.memref_slice %arg8[%sub3A_75, %dma_start3A_584] : memref<56x125xi32, #tpu.memory_space<vmem>> -> memref<1x125xi32, #tpu.memory_space<vmem>>
    %dma_start3A_586 = tpu.memref_squeeze %dma_start3A_585 : memref<1x125xi32, #tpu.memory_space<vmem>> -> memref<125xi32, #tpu.memory_space<vmem>>
    %dma_start3A_587 = arith.constant 0 : i32
    %dma_start3A_588 = arith.constant 0 : i32
    %dma_start3A_589 = tpu.memref_slice %arg3[%dma_start3A_587, %dma_start3A_588] : memref<10000x128xf32, #tpu.memory_space<hbm>> -> memref<10000x128xf32, #tpu.memory_space<hbm>>
    %dma_start3A_590 = tpu.memref_slice %arg14[%dma_start3A_579] : memref<2x!tpu.dma_semaphore, #tpu.memory_space<semaphore_mem>> -> memref<1x!tpu.dma_semaphore, #tpu.memory_space<semaphore_mem>>
    %dma_start3A_591 = tpu.memref_squeeze %dma_start3A_590 : memref<1x!tpu.dma_semaphore, #tpu.memory_space<semaphore_mem>> -> memref<!tpu.dma_semaphore, #tpu.memory_space<semaphore_mem>>
    tpu.enqueue_indirect_dma source(%dma_start3A_589 : memref<10000x128xf32, #tpu.memory_space<hbm>>) target(%dma_start3A_583 : memref<125x128xf32, #tpu.memory_space<vmem>>) offsets(%dma_start3A_586 : memref<125xi32, #tpu.memory_space<vmem>>) semaphore(%dma_start3A_591 : memref<!tpu.dma_semaphore, #tpu.memory_space<semaphore_mem>>)
    %barrier3A = arith.constant 0 : index
    tpu.barrier barrier_id(%barrier3A)
    %while3A = arith.constant 0 : i32
    %while3A_592 = arith.subi %sub3A_47, %while3A : i32
    %while3A_593 = arith.addi %while3A, %while3A_592 : i32
    %while3A_594 = arith.constant 1 : i32
    %while3A_595 = arith.divsi %while3A_592, %while3A_594 : i32
    %while3A_596 = arith.muli %while3A_595, %while3A_594 : i32
    %while3A_597 = arith.addi %while3A, %while3A_596 : i32
    %while3A_598 = arith.constant 1 : i32
    scf.for %while3A_617 = %while3A to %while3A_597 step %while3A_598  : i32 {
      %rem3A_618 = arith.constant 2 : i32
      %rem3A_619 = arith.remsi %while3A_617, %rem3A_618 : i32
      %add3A_620 = arith.addi %sub3A_75, %while3A_617 : i32
      %dma_wait3A_621 = arith.constant 0 : i32
      %dma_wait3A_622 = arith.constant 0 : i32
      %dma_wait3A_623 = tpu.memref_slice %arg10[%rem3A_619, %dma_wait3A_621, %dma_wait3A_622] : memref<2x125x128xf32, #tpu.memory_space<vmem>> -> memref<1x125x128xf32, #tpu.memory_space<vmem>>
      %dma_wait3A_624 = tpu.memref_squeeze %dma_wait3A_623 : memref<1x125x128xf32, #tpu.memory_space<vmem>> -> memref<125x128xf32, #tpu.memory_space<vmem>>
      %dma_wait3A_625 = arith.constant 0 : i32
      %dma_wait3A_626 = tpu.memref_slice %arg8[%add3A_620, %dma_wait3A_625] : memref<56x125xi32, #tpu.memory_space<vmem>> -> memref<1x125xi32, #tpu.memory_space<vmem>>
      %dma_wait3A_627 = tpu.memref_squeeze %dma_wait3A_626 : memref<1x125xi32, #tpu.memory_space<vmem>> -> memref<125xi32, #tpu.memory_space<vmem>>
      %dma_wait3A_628 = arith.constant 0 : i32
      %dma_wait3A_629 = arith.constant 0 : i32
      %dma_wait3A_630 = tpu.memref_slice %arg3[%dma_wait3A_628, %dma_wait3A_629] : memref<10000x128xf32, #tpu.memory_space<hbm>> -> memref<10000x128xf32, #tpu.memory_space<hbm>>
      %dma_wait3A_631 = tpu.memref_slice %arg14[%rem3A_619] : memref<2x!tpu.dma_semaphore, #tpu.memory_space<semaphore_mem>> -> memref<1x!tpu.dma_semaphore, #tpu.memory_space<semaphore_mem>>
      %dma_wait3A_632 = tpu.memref_squeeze %dma_wait3A_631 : memref<1x!tpu.dma_semaphore, #tpu.memory_space<semaphore_mem>> -> memref<!tpu.dma_semaphore, #tpu.memory_space<semaphore_mem>>
      tpu.wait_indirect_dma semaphore(%dma_wait3A_632 : memref<!tpu.dma_semaphore, #tpu.memory_space<semaphore_mem>>) src(%dma_wait3A_630 : memref<10000x128xf32, #tpu.memory_space<hbm>>) dst(%dma_wait3A_624 : memref<125x128xf32, #tpu.memory_space<vmem>>)
      %add3A_633 = arith.constant 1 : i32
      %add3A_634 = arith.addi %while3A_617, %add3A_633 : i32
      %lt3A = arith.cmpi slt, %add3A_634, %sub3A_47 : i32
      %convert_element_type3A_635 = arith.extui %lt3A : i1 to i32
      %cond3A_636 = arith.constant 0 : i32
      %cond3A_637 = arith.cmpi ne, %convert_element_type3A_635, %cond3A_636 : i32
      scf.if %cond3A_637 {
        %add3A_647 = arith.addi %sub3A_75, %while3A_617 : i32
        %add3A_648 = arith.constant 1 : i32
        %add3A_649 = arith.addi %add3A_647, %add3A_648 : i32
        %min3A_650 = arith.constant 55 : i32
        %min3A_651 = arith.minsi %add3A_649, %min3A_650 : i32
        %sub3A_652 = arith.constant 1 : i32
        %sub3A_653 = arith.subi %sub3A_652, %rem3A_619 : i32
        %sub3A_654 = arith.constant 1 : i32
        %sub3A_655 = arith.subi %sub3A_654, %rem3A_619 : i32
        %dma_start3A_656 = arith.constant 0 : i32
        %dma_start3A_657 = arith.constant 0 : i32
        %dma_start3A_658 = tpu.memref_slice %arg10[%sub3A_653, %dma_start3A_656, %dma_start3A_657] : memref<2x125x128xf32, #tpu.memory_space<vmem>> -> memref<1x125x128xf32, #tpu.memory_space<vmem>>
        %dma_start3A_659 = tpu.memref_squeeze %dma_start3A_658 : memref<1x125x128xf32, #tpu.memory_space<vmem>> -> memref<125x128xf32, #tpu.memory_space<vmem>>
        %dma_start3A_660 = arith.constant 0 : i32
        %dma_start3A_661 = tpu.memref_slice %arg8[%min3A_651, %dma_start3A_660] : memref<56x125xi32, #tpu.memory_space<vmem>> -> memref<1x125xi32, #tpu.memory_space<vmem>>
        %dma_start3A_662 = tpu.memref_squeeze %dma_start3A_661 : memref<1x125xi32, #tpu.memory_space<vmem>> -> memref<125xi32, #tpu.memory_space<vmem>>
        %dma_start3A_663 = arith.constant 0 : i32
        %dma_start3A_664 = arith.constant 0 : i32
        %dma_start3A_665 = tpu.memref_slice %arg3[%dma_start3A_663, %dma_start3A_664] : memref<10000x128xf32, #tpu.memory_space<hbm>> -> memref<10000x128xf32, #tpu.memory_space<hbm>>
        %dma_start3A_666 = tpu.memref_slice %arg14[%sub3A_655] : memref<2x!tpu.dma_semaphore, #tpu.memory_space<semaphore_mem>> -> memref<1x!tpu.dma_semaphore, #tpu.memory_space<semaphore_mem>>
        %dma_start3A_667 = tpu.memref_squeeze %dma_start3A_666 : memref<1x!tpu.dma_semaphore, #tpu.memory_space<semaphore_mem>> -> memref<!tpu.dma_semaphore, #tpu.memory_space<semaphore_mem>>
        tpu.enqueue_indirect_dma source(%dma_start3A_665 : memref<10000x128xf32, #tpu.memory_space<hbm>>) target(%dma_start3A_659 : memref<125x128xf32, #tpu.memory_space<vmem>>) offsets(%dma_start3A_662 : memref<125xi32, #tpu.memory_space<vmem>>) semaphore(%dma_start3A_667 : memref<!tpu.dma_semaphore, #tpu.memory_space<semaphore_mem>>)
      } else {
      }
      %add3A_638 = arith.addi %sub3A_75, %while3A_617 : i32
      %dma_start3A_639 = arith.constant 0 : i32
      %dma_start3A_640 = tpu.memref_slice %arg11[%dma_start3A_639] : memref<128xf32, #tpu.memory_space<vmem>> -> memref<125xf32, #tpu.memory_space<vmem>>
      %dma_start3A_641 = arith.constant 0 : i32
      %dma_start3A_642 = tpu.memref_slice %arg9[%add3A_638, %dma_start3A_641] : memref<56x125xi32, #tpu.memory_space<vmem>> -> memref<1x125xi32, #tpu.memory_space<vmem>>
      %dma_start3A_643 = tpu.memref_squeeze %dma_start3A_642 : memref<1x125xi32, #tpu.memory_space<vmem>> -> memref<125xi32, #tpu.memory_space<vmem>>
      %dma_start3A_644 = arith.constant 0 : i32
      %dma_start3A_645 = tpu.memref_slice %arg13[%dma_start3A_644] : memref<10240xf32, #tpu.memory_space<vmem_shared>> -> memref<10240xf32, #tpu.memory_space<vmem_shared>>
      tpu.enqueue_indirect_dma source(%dma_start3A_640 : memref<125xf32, #tpu.memory_space<vmem>>) target(%dma_start3A_645 : memref<10240xf32, #tpu.memory_space<vmem_shared>>) offsets(%dma_start3A_643 : memref<125xi32, #tpu.memory_space<vmem>>) semaphore(%arg15 : memref<!tpu.dma_semaphore, #tpu.memory_space<semaphore_mem>>) {add = true}
      %add3A_646 = arith.addi %sub3A_75, %while3A_617 : i32
      "tpu.region"() ({
        %run_scoped3A = tpu.sem_alloc : memref<!tpu.dma_semaphore, #tpu.memory_space<semaphore_mem>>
        %dma_start3A_647 = arith.constant 0 : i32
        %dma_start3A_648 = arith.constant 0 : i32
        %dma_start3A_649 = tpu.memref_slice %arg10[%rem3A_619, %dma_start3A_647, %dma_start3A_648] : memref<2x125x128xf32, #tpu.memory_space<vmem>> -> memref<1x125x128xf32, #tpu.memory_space<vmem>>
        %dma_start3A_650 = tpu.memref_squeeze %dma_start3A_649 : memref<1x125x128xf32, #tpu.memory_space<vmem>> -> memref<125x128xf32, #tpu.memory_space<vmem>>
        %dma_start3A_651 = arith.constant 0 : i32
        %dma_start3A_652 = tpu.memref_slice %arg9[%add3A_646, %dma_start3A_651] : memref<56x125xi32, #tpu.memory_space<vmem>> -> memref<1x125xi32, #tpu.memory_space<vmem>>
        %dma_start3A_653 = tpu.memref_squeeze %dma_start3A_652 : memref<1x125xi32, #tpu.memory_space<vmem>> -> memref<125xi32, #tpu.memory_space<vmem>>
        %dma_start3A_654 = arith.constant 0 : i32
        %dma_start3A_655 = arith.constant 0 : i32
        %dma_start3A_656 = tpu.memref_slice %arg12[%dma_start3A_654, %dma_start3A_655] : memref<10240x128xf32, #tpu.memory_space<vmem_shared>> -> memref<10240x128xf32, #tpu.memory_space<vmem_shared>>
        tpu.enqueue_indirect_dma source(%dma_start3A_650 : memref<125x128xf32, #tpu.memory_space<vmem>>) target(%dma_start3A_656 : memref<10240x128xf32, #tpu.memory_space<vmem_shared>>) offsets(%dma_start3A_653 : memref<125xi32, #tpu.memory_space<vmem>>) semaphore(%run_scoped3A : memref<!tpu.dma_semaphore, #tpu.memory_space<semaphore_mem>>) {add = true}
        %dma_wait3A_657 = arith.constant 0 : i32
        %dma_wait3A_658 = arith.constant 0 : i32
        %dma_wait3A_659 = tpu.memref_slice %arg10[%rem3A_619, %dma_wait3A_657, %dma_wait3A_658] : memref<2x125x128xf32, #tpu.memory_space<vmem>> -> memref<1x125x128xf32, #tpu.memory_space<vmem>>
        %dma_wait3A_660 = tpu.memref_squeeze %dma_wait3A_659 : memref<1x125x128xf32, #tpu.memory_space<vmem>> -> memref<125x128xf32, #tpu.memory_space<vmem>>
        %dma_wait3A_661 = arith.constant 0 : i32
        %dma_wait3A_662 = tpu.memref_slice %arg9[%add3A_646, %dma_wait3A_661] : memref<56x125xi32, #tpu.memory_space<vmem>> -> memref<1x125xi32, #tpu.memory_space<vmem>>
        %dma_wait3A_663 = tpu.memref_squeeze %dma_wait3A_662 : memref<1x125xi32, #tpu.memory_space<vmem>> -> memref<125xi32, #tpu.memory_space<vmem>>
        %dma_wait3A_664 = arith.constant 0 : i32
        %dma_wait3A_665 = arith.constant 0 : i32
        %dma_wait3A_666 = tpu.memref_slice %arg12[%dma_wait3A_664, %dma_wait3A_665] : memref<10240x128xf32, #tpu.memory_space<vmem_shared>> -> memref<10240x128xf32, #tpu.memory_space<vmem_shared>>
        tpu.wait_indirect_dma semaphore(%run_scoped3A : memref<!tpu.dma_semaphore, #tpu.memory_space<semaphore_mem>>) src(%dma_wait3A_660 : memref<125x128xf32, #tpu.memory_space<vmem>>) dst(%dma_wait3A_666 : memref<10240x128xf32, #tpu.memory_space<vmem_shared>>)
        tpu.yield
      }) : () -> ()
    }
    %while3A_599 = arith.constant 1 : i32
    scf.for %while3A_617 = %while3A_597 to %while3A_593 step %while3A_599  : i32 {
      %rem3A_618 = arith.constant 2 : i32
      %rem3A_619 = arith.remsi %while3A_617, %rem3A_618 : i32
      %add3A_620 = arith.addi %sub3A_75, %while3A_617 : i32
      %dma_wait3A_621 = arith.constant 0 : i32
      %dma_wait3A_622 = arith.constant 0 : i32
      %dma_wait3A_623 = tpu.memref_slice %arg10[%rem3A_619, %dma_wait3A_621, %dma_wait3A_622] : memref<2x125x128xf32, #tpu.memory_space<vmem>> -> memref<1x125x128xf32, #tpu.memory_space<vmem>>
      %dma_wait3A_624 = tpu.memref_squeeze %dma_wait3A_623 : memref<1x125x128xf32, #tpu.memory_space<vmem>> -> memref<125x128xf32, #tpu.memory_space<vmem>>
      %dma_wait3A_625 = arith.constant 0 : i32
      %dma_wait3A_626 = tpu.memref_slice %arg8[%add3A_620, %dma_wait3A_625] : memref<56x125xi32, #tpu.memory_space<vmem>> -> memref<1x125xi32, #tpu.memory_space<vmem>>
      %dma_wait3A_627 = tpu.memref_squeeze %dma_wait3A_626 : memref<1x125xi32, #tpu.memory_space<vmem>> -> memref<125xi32, #tpu.memory_space<vmem>>
      %dma_wait3A_628 = arith.constant 0 : i32
      %dma_wait3A_629 = arith.constant 0 : i32
      %dma_wait3A_630 = tpu.memref_slice %arg3[%dma_wait3A_628, %dma_wait3A_629] : memref<10000x128xf32, #tpu.memory_space<hbm>> -> memref<10000x128xf32, #tpu.memory_space<hbm>>
      %dma_wait3A_631 = tpu.memref_slice %arg14[%rem3A_619] : memref<2x!tpu.dma_semaphore, #tpu.memory_space<semaphore_mem>> -> memref<1x!tpu.dma_semaphore, #tpu.memory_space<semaphore_mem>>
      %dma_wait3A_632 = tpu.memref_squeeze %dma_wait3A_631 : memref<1x!tpu.dma_semaphore, #tpu.memory_space<semaphore_mem>> -> memref<!tpu.dma_semaphore, #tpu.memory_space<semaphore_mem>>
      tpu.wait_indirect_dma semaphore(%dma_wait3A_632 : memref<!tpu.dma_semaphore, #tpu.memory_space<semaphore_mem>>) src(%dma_wait3A_630 : memref<10000x128xf32, #tpu.memory_space<hbm>>) dst(%dma_wait3A_624 : memref<125x128xf32, #tpu.memory_space<vmem>>)
      %add3A_633 = arith.constant 1 : i32
      %add3A_634 = arith.addi %while3A_617, %add3A_633 : i32
      %lt3A = arith.cmpi slt, %add3A_634, %sub3A_47 : i32
      %convert_element_type3A_635 = arith.extui %lt3A : i1 to i32
      %cond3A_636 = arith.constant 0 : i32
      %cond3A_637 = arith.cmpi ne, %convert_element_type3A_635, %cond3A_636 : i32
      scf.if %cond3A_637 {
        %add3A_647 = arith.addi %sub3A_75, %while3A_617 : i32
        %add3A_648 = arith.constant 1 : i32
        %add3A_649 = arith.addi %add3A_647, %add3A_648 : i32
        %min3A_650 = arith.constant 55 : i32
        %min3A_651 = arith.minsi %add3A_649, %min3A_650 : i32
        %sub3A_652 = arith.constant 1 : i32
        %sub3A_653 = arith.subi %sub3A_652, %rem3A_619 : i32
        %sub3A_654 = arith.constant 1 : i32
        %sub3A_655 = arith.subi %sub3A_654, %rem3A_619 : i32
        %dma_start3A_656 = arith.constant 0 : i32
        %dma_start3A_657 = arith.constant 0 : i32
        %dma_start3A_658 = tpu.memref_slice %arg10[%sub3A_653, %dma_start3A_656, %dma_start3A_657] : memref<2x125x128xf32, #tpu.memory_space<vmem>> -> memref<1x125x128xf32, #tpu.memory_space<vmem>>
        %dma_start3A_659 = tpu.memref_squeeze %dma_start3A_658 : memref<1x125x128xf32, #tpu.memory_space<vmem>> -> memref<125x128xf32, #tpu.memory_space<vmem>>
        %dma_start3A_660 = arith.constant 0 : i32
        %dma_start3A_661 = tpu.memref_slice %arg8[%min3A_651, %dma_start3A_660] : memref<56x125xi32, #tpu.memory_space<vmem>> -> memref<1x125xi32, #tpu.memory_space<vmem>>
        %dma_start3A_662 = tpu.memref_squeeze %dma_start3A_661 : memref<1x125xi32, #tpu.memory_space<vmem>> -> memref<125xi32, #tpu.memory_space<vmem>>
        %dma_start3A_663 = arith.constant 0 : i32
        %dma_start3A_664 = arith.constant 0 : i32
        %dma_start3A_665 = tpu.memref_slice %arg3[%dma_start3A_663, %dma_start3A_664] : memref<10000x128xf32, #tpu.memory_space<hbm>> -> memref<10000x128xf32, #tpu.memory_space<hbm>>
        %dma_start3A_666 = tpu.memref_slice %arg14[%sub3A_655] : memref<2x!tpu.dma_semaphore, #tpu.memory_space<semaphore_mem>> -> memref<1x!tpu.dma_semaphore, #tpu.memory_space<semaphore_mem>>
        %dma_start3A_667 = tpu.memref_squeeze %dma_start3A_666 : memref<1x!tpu.dma_semaphore, #tpu.memory_space<semaphore_mem>> -> memref<!tpu.dma_semaphore, #tpu.memory_space<semaphore_mem>>
        tpu.enqueue_indirect_dma source(%dma_start3A_665 : memref<10000x128xf32, #tpu.memory_space<hbm>>) target(%dma_start3A_659 : memref<125x128xf32, #tpu.memory_space<vmem>>) offsets(%dma_start3A_662 : memref<125xi32, #tpu.memory_space<vmem>>) semaphore(%dma_start3A_667 : memref<!tpu.dma_semaphore, #tpu.memory_space<semaphore_mem>>)
      } else {
      }
      %add3A_638 = arith.addi %sub3A_75, %while3A_617 : i32
      %dma_start3A_639 = arith.constant 0 : i32
      %dma_start3A_640 = tpu.memref_slice %arg11[%dma_start3A_639] : memref<128xf32, #tpu.memory_space<vmem>> -> memref<125xf32, #tpu.memory_space<vmem>>
      %dma_start3A_641 = arith.constant 0 : i32
      %dma_start3A_642 = tpu.memref_slice %arg9[%add3A_638, %dma_start3A_641] : memref<56x125xi32, #tpu.memory_space<vmem>> -> memref<1x125xi32, #tpu.memory_space<vmem>>
      %dma_start3A_643 = tpu.memref_squeeze %dma_start3A_642 : memref<1x125xi32, #tpu.memory_space<vmem>> -> memref<125xi32, #tpu.memory_space<vmem>>
      %dma_start3A_644 = arith.constant 0 : i32
      %dma_start3A_645 = tpu.memref_slice %arg13[%dma_start3A_644] : memref<10240xf32, #tpu.memory_space<vmem_shared>> -> memref<10240xf32, #tpu.memory_space<vmem_shared>>
      tpu.enqueue_indirect_dma source(%dma_start3A_640 : memref<125xf32, #tpu.memory_space<vmem>>) target(%dma_start3A_645 : memref<10240xf32, #tpu.memory_space<vmem_shared>>) offsets(%dma_start3A_643 : memref<125xi32, #tpu.memory_space<vmem>>) semaphore(%arg15 : memref<!tpu.dma_semaphore, #tpu.memory_space<semaphore_mem>>) {add = true}
      %add3A_646 = arith.addi %sub3A_75, %while3A_617 : i32
      "tpu.region"() ({
        %run_scoped3A = tpu.sem_alloc : memref<!tpu.dma_semaphore, #tpu.memory_space<semaphore_mem>>
        %dma_start3A_647 = arith.constant 0 : i32
        %dma_start3A_648 = arith.constant 0 : i32
        %dma_start3A_649 = tpu.memref_slice %arg10[%rem3A_619, %dma_start3A_647, %dma_start3A_648] : memref<2x125x128xf32, #tpu.memory_space<vmem>> -> memref<1x125x128xf32, #tpu.memory_space<vmem>>
        %dma_start3A_650 = tpu.memref_squeeze %dma_start3A_649 : memref<1x125x128xf32, #tpu.memory_space<vmem>> -> memref<125x128xf32, #tpu.memory_space<vmem>>
        %dma_start3A_651 = arith.constant 0 : i32
        %dma_start3A_652 = tpu.memref_slice %arg9[%add3A_646, %dma_start3A_651] : memref<56x125xi32, #tpu.memory_space<vmem>> -> memref<1x125xi32, #tpu.memory_space<vmem>>
        %dma_start3A_653 = tpu.memref_squeeze %dma_start3A_652 : memref<1x125xi32, #tpu.memory_space<vmem>> -> memref<125xi32, #tpu.memory_space<vmem>>
        %dma_start3A_654 = arith.constant 0 : i32
        %dma_start3A_655 = arith.constant 0 : i32
        %dma_start3A_656 = tpu.memref_slice %arg12[%dma_start3A_654, %dma_start3A_655] : memref<10240x128xf32, #tpu.memory_space<vmem_shared>> -> memref<10240x128xf32, #tpu.memory_space<vmem_shared>>
        tpu.enqueue_indirect_dma source(%dma_start3A_650 : memref<125x128xf32, #tpu.memory_space<vmem>>) target(%dma_start3A_656 : memref<10240x128xf32, #tpu.memory_space<vmem_shared>>) offsets(%dma_start3A_653 : memref<125xi32, #tpu.memory_space<vmem>>) semaphore(%run_scoped3A : memref<!tpu.dma_semaphore, #tpu.memory_space<semaphore_mem>>) {add = true}
        %dma_wait3A_657 = arith.constant 0 : i32
        %dma_wait3A_658 = arith.constant 0 : i32
        %dma_wait3A_659 = tpu.memref_slice %arg10[%rem3A_619, %dma_wait3A_657, %dma_wait3A_658] : memref<2x125x128xf32, #tpu.memory_space<vmem>> -> memref<1x125x128xf32, #tpu.memory_space<vmem>>
        %dma_wait3A_660 = tpu.memref_squeeze %dma_wait3A_659 : memref<1x125x128xf32, #tpu.memory_space<vmem>> -> memref<125x128xf32, #tpu.memory_space<vmem>>
        %dma_wait3A_661 = arith.constant 0 : i32
        %dma_wait3A_662 = tpu.memref_slice %arg9[%add3A_646, %dma_wait3A_661] : memref<56x125xi32, #tpu.memory_space<vmem>> -> memref<1x125xi32, #tpu.memory_space<vmem>>
        %dma_wait3A_663 = tpu.memref_squeeze %dma_wait3A_662 : memref<1x125xi32, #tpu.memory_space<vmem>> -> memref<125xi32, #tpu.memory_space<vmem>>
        %dma_wait3A_664 = arith.constant 0 : i32
        %dma_wait3A_665 = arith.constant 0 : i32
        %dma_wait3A_666 = tpu.memref_slice %arg12[%dma_wait3A_664, %dma_wait3A_665] : memref<10240x128xf32, #tpu.memory_space<vmem_shared>> -> memref<10240x128xf32, #tpu.memory_space<vmem_shared>>
        tpu.wait_indirect_dma semaphore(%run_scoped3A : memref<!tpu.dma_semaphore, #tpu.memory_space<semaphore_mem>>) src(%dma_wait3A_660 : memref<125x128xf32, #tpu.memory_space<vmem>>) dst(%dma_wait3A_666 : memref<10240x128xf32, #tpu.memory_space<vmem_shared>>)
        tpu.yield
      }) : () -> ()
    }
    %while3A_600 = arith.constant 0 : i32
    %while3A_601 = arith.subi %sub3A_47, %while3A_600 : i32
    %while3A_602 = arith.addi %while3A_600, %while3A_601 : i32
    %while3A_603 = arith.constant 1 : i32
    %while3A_604 = arith.divsi %while3A_601, %while3A_603 : i32
    %while3A_605 = arith.muli %while3A_604, %while3A_603 : i32
    %while3A_606 = arith.addi %while3A_600, %while3A_605 : i32
    %while3A_607 = arith.constant 1 : i32
    scf.for %while3A_617 = %while3A_600 to %while3A_606 step %while3A_607  : i32 {
      %dma_wait3A_618 = arith.constant 0 : i32
      %dma_wait3A_619 = tpu.memref_slice %arg11[%dma_wait3A_618] : memref<128xf32, #tpu.memory_space<vmem>> -> memref<125xf32, #tpu.memory_space<vmem>>
      %dma_wait3A_620 = arith.constant 0 : i32
      %dma_wait3A_621 = tpu.memref_slice %arg9[%sub3A_75, %dma_wait3A_620] : memref<56x125xi32, #tpu.memory_space<vmem>> -> memref<1x125xi32, #tpu.memory_space<vmem>>
      %dma_wait3A_622 = tpu.memref_squeeze %dma_wait3A_621 : memref<1x125xi32, #tpu.memory_space<vmem>> -> memref<125xi32, #tpu.memory_space<vmem>>
      %dma_wait3A_623 = arith.constant 0 : i32
      %dma_wait3A_624 = tpu.memref_slice %arg13[%dma_wait3A_623] : memref<10240xf32, #tpu.memory_space<vmem_shared>> -> memref<10240xf32, #tpu.memory_space<vmem_shared>>
      tpu.wait_indirect_dma semaphore(%arg15 : memref<!tpu.dma_semaphore, #tpu.memory_space<semaphore_mem>>) src(%dma_wait3A_619 : memref<125xf32, #tpu.memory_space<vmem>>) dst(%dma_wait3A_624 : memref<10240xf32, #tpu.memory_space<vmem_shared>>)
    }
    %while3A_608 = arith.constant 1 : i32
    scf.for %while3A_617 = %while3A_606 to %while3A_602 step %while3A_608  : i32 {
      %dma_wait3A_618 = arith.constant 0 : i32
      %dma_wait3A_619 = tpu.memref_slice %arg11[%dma_wait3A_618] : memref<128xf32, #tpu.memory_space<vmem>> -> memref<125xf32, #tpu.memory_space<vmem>>
      %dma_wait3A_620 = arith.constant 0 : i32
      %dma_wait3A_621 = tpu.memref_slice %arg9[%sub3A_75, %dma_wait3A_620] : memref<56x125xi32, #tpu.memory_space<vmem>> -> memref<1x125xi32, #tpu.memory_space<vmem>>
      %dma_wait3A_622 = tpu.memref_squeeze %dma_wait3A_621 : memref<1x125xi32, #tpu.memory_space<vmem>> -> memref<125xi32, #tpu.memory_space<vmem>>
      %dma_wait3A_623 = arith.constant 0 : i32
      %dma_wait3A_624 = tpu.memref_slice %arg13[%dma_wait3A_623] : memref<10240xf32, #tpu.memory_space<vmem_shared>> -> memref<10240xf32, #tpu.memory_space<vmem_shared>>
      tpu.wait_indirect_dma semaphore(%arg15 : memref<!tpu.dma_semaphore, #tpu.memory_space<semaphore_mem>>) src(%dma_wait3A_619 : memref<125xf32, #tpu.memory_space<vmem>>) dst(%dma_wait3A_624 : memref<10240xf32, #tpu.memory_space<vmem_shared>>)
    }
    %barrier3A_609 = arith.constant 0 : index
    tpu.barrier barrier_id(%barrier3A_609)
    %eq3A = arith.constant 0 : i32
    %eq3A_610 = arith.cmpi eq, %arg0, %eq3A : i32
    %convert_element_type3A = arith.extui %eq3A_610 : i1 to i32
    %cond3A = arith.constant 0 : i32
    %cond3A_611 = arith.cmpi ne, %convert_element_type3A, %cond3A : i32
    scf.if %cond3A_611 {
      %dma_start3A_617 = arith.constant 0 : i32
      %dma_start3A_618 = tpu.memref_slice %arg14[%dma_start3A_617] : memref<2x!tpu.dma_semaphore, #tpu.memory_space<semaphore_mem>> -> memref<1x!tpu.dma_semaphore, #tpu.memory_space<semaphore_mem>>
      %dma_start3A_619 = tpu.memref_squeeze %dma_start3A_618 : memref<1x!tpu.dma_semaphore, #tpu.memory_space<semaphore_mem>> -> memref<!tpu.dma_semaphore, #tpu.memory_space<semaphore_mem>>
      %dma_start3A_620 = arith.constant 0 : i32
      %dma_start3A_621 = tpu.memref_slice %arg4[%mul3A_115, %dma_start3A_620] : memref<10240x128xf32, #tpu.memory_space<hbm>> -> memref<640x128xf32, #tpu.memory_space<hbm>>
      %dma_start3A_622 = arith.constant 0 : i32
      %dma_start3A_623 = tpu.memref_slice %arg12[%mul3A_115, %dma_start3A_622] : memref<10240x128xf32, #tpu.memory_space<vmem_shared>> -> memref<640x128xf32, #tpu.memory_space<vmem_shared>>
      tpu.enqueue_dma source(%dma_start3A_623 : memref<640x128xf32, #tpu.memory_space<vmem_shared>>) target(%dma_start3A_621 : memref<640x128xf32, #tpu.memory_space<hbm>>) target_semaphore(%dma_start3A_619 : memref<!tpu.dma_semaphore, #tpu.memory_space<semaphore_mem>>)
      %dma_start3A_624 = arith.constant 1 : i32
      %dma_start3A_625 = tpu.memref_slice %arg14[%dma_start3A_624] : memref<2x!tpu.dma_semaphore, #tpu.memory_space<semaphore_mem>> -> memref<1x!tpu.dma_semaphore, #tpu.memory_space<semaphore_mem>>
      %dma_start3A_626 = tpu.memref_squeeze %dma_start3A_625 : memref<1x!tpu.dma_semaphore, #tpu.memory_space<semaphore_mem>> -> memref<!tpu.dma_semaphore, #tpu.memory_space<semaphore_mem>>
      %dma_start3A_627 = tpu.memref_slice %arg6[%mul3A_115] : memref<10240xf32, #tpu.memory_space<hbm>> -> memref<640xf32, #tpu.memory_space<hbm>>
      %dma_start3A_628 = tpu.memref_slice %arg13[%mul3A_115] : memref<10240xf32, #tpu.memory_space<vmem_shared>> -> memref<640xf32, #tpu.memory_space<vmem_shared>>
      tpu.enqueue_dma source(%dma_start3A_628 : memref<640xf32, #tpu.memory_space<vmem_shared>>) target(%dma_start3A_627 : memref<640xf32, #tpu.memory_space<hbm>>) target_semaphore(%dma_start3A_626 : memref<!tpu.dma_semaphore, #tpu.memory_space<semaphore_mem>>)
      %dma_wait3A_629 = arith.constant 0 : i32
      %dma_wait3A_630 = tpu.memref_slice %arg14[%dma_wait3A_629] : memref<2x!tpu.dma_semaphore, #tpu.memory_space<semaphore_mem>> -> memref<1x!tpu.dma_semaphore, #tpu.memory_space<semaphore_mem>>
      %dma_wait3A_631 = tpu.memref_squeeze %dma_wait3A_630 : memref<1x!tpu.dma_semaphore, #tpu.memory_space<semaphore_mem>> -> memref<!tpu.dma_semaphore, #tpu.memory_space<semaphore_mem>>
      %dma_wait3A_632 = arith.constant 0 : i32
      %dma_wait3A_633 = tpu.memref_slice %arg4[%mul3A_115, %dma_wait3A_632] : memref<10240x128xf32, #tpu.memory_space<hbm>> -> memref<640x128xf32, #tpu.memory_space<hbm>>
      %dma_wait3A_634 = arith.constant 0 : i32
      %dma_wait3A_635 = tpu.memref_slice %arg12[%mul3A_115, %dma_wait3A_634] : memref<10240x128xf32, #tpu.memory_space<vmem_shared>> -> memref<640x128xf32, #tpu.memory_space<vmem_shared>>
      tpu.wait_dma2 semaphore(%dma_wait3A_631 : memref<!tpu.dma_semaphore, #tpu.memory_space<semaphore_mem>>) src(%dma_wait3A_635 : memref<640x128xf32, #tpu.memory_space<vmem_shared>>) dst(%dma_wait3A_633 : memref<640x128xf32, #tpu.memory_space<hbm>>)
      %dma_wait3A_636 = arith.constant 1 : i32
      %dma_wait3A_637 = tpu.memref_slice %arg14[%dma_wait3A_636] : memref<2x!tpu.dma_semaphore, #tpu.memory_space<semaphore_mem>> -> memref<1x!tpu.dma_semaphore, #tpu.memory_space<semaphore_mem>>
      %dma_wait3A_638 = tpu.memref_squeeze %dma_wait3A_637 : memref<1x!tpu.dma_semaphore, #tpu.memory_space<semaphore_mem>> -> memref<!tpu.dma_semaphore, #tpu.memory_space<semaphore_mem>>
      %dma_wait3A_639 = tpu.memref_slice %arg6[%mul3A_115] : memref<10240xf32, #tpu.memory_space<hbm>> -> memref<640xf32, #tpu.memory_space<hbm>>
      %dma_wait3A_640 = tpu.memref_slice %arg13[%mul3A_115] : memref<10240xf32, #tpu.memory_space<vmem_shared>> -> memref<640xf32, #tpu.memory_space<vmem_shared>>
      tpu.wait_dma2 semaphore(%dma_wait3A_638 : memref<!tpu.dma_semaphore, #tpu.memory_space<semaphore_mem>>) src(%dma_wait3A_640 : memref<640xf32, #tpu.memory_space<vmem_shared>>) dst(%dma_wait3A_639 : memref<640xf32, #tpu.memory_space<hbm>>)
    } else {
    }
    %eq3A_612 = arith.constant 1 : i32
    %eq3A_613 = arith.cmpi eq, %arg0, %eq3A_612 : i32
    %convert_element_type3A_614 = arith.extui %eq3A_613 : i1 to i32
    %cond3A_615 = arith.constant 0 : i32
    %cond3A_616 = arith.cmpi ne, %convert_element_type3A_614, %cond3A_615 : i32
    scf.if %cond3A_616 {
      %dma_start3A_617 = arith.constant 0 : i32
      %dma_start3A_618 = tpu.memref_slice %arg14[%dma_start3A_617] : memref<2x!tpu.dma_semaphore, #tpu.memory_space<semaphore_mem>> -> memref<1x!tpu.dma_semaphore, #tpu.memory_space<semaphore_mem>>
      %dma_start3A_619 = tpu.memref_squeeze %dma_start3A_618 : memref<1x!tpu.dma_semaphore, #tpu.memory_space<semaphore_mem>> -> memref<!tpu.dma_semaphore, #tpu.memory_space<semaphore_mem>>
      %dma_start3A_620 = arith.constant 0 : i32
      %dma_start3A_621 = tpu.memref_slice %arg5[%mul3A_115, %dma_start3A_620] : memref<10240x128xf32, #tpu.memory_space<hbm>> -> memref<640x128xf32, #tpu.memory_space<hbm>>
      %dma_start3A_622 = arith.constant 0 : i32
      %dma_start3A_623 = tpu.memref_slice %arg12[%mul3A_115, %dma_start3A_622] : memref<10240x128xf32, #tpu.memory_space<vmem_shared>> -> memref<640x128xf32, #tpu.memory_space<vmem_shared>>
      tpu.enqueue_dma source(%dma_start3A_623 : memref<640x128xf32, #tpu.memory_space<vmem_shared>>) target(%dma_start3A_621 : memref<640x128xf32, #tpu.memory_space<hbm>>) target_semaphore(%dma_start3A_619 : memref<!tpu.dma_semaphore, #tpu.memory_space<semaphore_mem>>)
      %dma_start3A_624 = arith.constant 1 : i32
      %dma_start3A_625 = tpu.memref_slice %arg14[%dma_start3A_624] : memref<2x!tpu.dma_semaphore, #tpu.memory_space<semaphore_mem>> -> memref<1x!tpu.dma_semaphore, #tpu.memory_space<semaphore_mem>>
      %dma_start3A_626 = tpu.memref_squeeze %dma_start3A_625 : memref<1x!tpu.dma_semaphore, #tpu.memory_space<semaphore_mem>> -> memref<!tpu.dma_semaphore, #tpu.memory_space<semaphore_mem>>
      %dma_start3A_627 = tpu.memref_slice %arg7[%mul3A_115] : memref<10240xf32, #tpu.memory_space<hbm>> -> memref<640xf32, #tpu.memory_space<hbm>>
      %dma_start3A_628 = tpu.memref_slice %arg13[%mul3A_115] : memref<10240xf32, #tpu.memory_space<vmem_shared>> -> memref<640xf32, #tpu.memory_space<vmem_shared>>
      tpu.enqueue_dma source(%dma_start3A_628 : memref<640xf32, #tpu.memory_space<vmem_shared>>) target(%dma_start3A_627 : memref<640xf32, #tpu.memory_space<hbm>>) target_semaphore(%dma_start3A_626 : memref<!tpu.dma_semaphore, #tpu.memory_space<semaphore_mem>>)
      %dma_wait3A_629 = arith.constant 0 : i32
      %dma_wait3A_630 = tpu.memref_slice %arg14[%dma_wait3A_629] : memref<2x!tpu.dma_semaphore, #tpu.memory_space<semaphore_mem>> -> memref<1x!tpu.dma_semaphore, #tpu.memory_space<semaphore_mem>>
      %dma_wait3A_631 = tpu.memref_squeeze %dma_wait3A_630 : memref<1x!tpu.dma_semaphore, #tpu.memory_space<semaphore_mem>> -> memref<!tpu.dma_semaphore, #tpu.memory_space<semaphore_mem>>
      %dma_wait3A_632 = arith.constant 0 : i32
      %dma_wait3A_633 = tpu.memref_slice %arg5[%mul3A_115, %dma_wait3A_632] : memref<10240x128xf32, #tpu.memory_space<hbm>> -> memref<640x128xf32, #tpu.memory_space<hbm>>
      %dma_wait3A_634 = arith.constant 0 : i32
      %dma_wait3A_635 = tpu.memref_slice %arg12[%mul3A_115, %dma_wait3A_634] : memref<10240x128xf32, #tpu.memory_space<vmem_shared>> -> memref<640x128xf32, #tpu.memory_space<vmem_shared>>
      tpu.wait_dma2 semaphore(%dma_wait3A_631 : memref<!tpu.dma_semaphore, #tpu.memory_space<semaphore_mem>>) src(%dma_wait3A_635 : memref<640x128xf32, #tpu.memory_space<vmem_shared>>) dst(%dma_wait3A_633 : memref<640x128xf32, #tpu.memory_space<hbm>>)
      %dma_wait3A_636 = arith.constant 1 : i32
      %dma_wait3A_637 = tpu.memref_slice %arg14[%dma_wait3A_636] : memref<2x!tpu.dma_semaphore, #tpu.memory_space<semaphore_mem>> -> memref<1x!tpu.dma_semaphore, #tpu.memory_space<semaphore_mem>>
      %dma_wait3A_638 = tpu.memref_squeeze %dma_wait3A_637 : memref<1x!tpu.dma_semaphore, #tpu.memory_space<semaphore_mem>> -> memref<!tpu.dma_semaphore, #tpu.memory_space<semaphore_mem>>
      %dma_wait3A_639 = tpu.memref_slice %arg7[%mul3A_115] : memref<10240xf32, #tpu.memory_space<hbm>> -> memref<640xf32, #tpu.memory_space<hbm>>
      %dma_wait3A_640 = tpu.memref_slice %arg13[%mul3A_115] : memref<10240xf32, #tpu.memory_space<vmem_shared>> -> memref<640xf32, #tpu.memory_space<vmem_shared>>
      tpu.wait_dma2 semaphore(%dma_wait3A_638 : memref<!tpu.dma_semaphore, #tpu.memory_space<semaphore_mem>>) src(%dma_wait3A_640 : memref<640xf32, #tpu.memory_space<vmem_shared>>) dst(%dma_wait3A_639 : memref<640xf32, #tpu.memory_space<hbm>>)
    } else {
    }
    return
  }
}

module attributes {stable_mosaic.version = 14 : i64} {
  func.func @body(%arg0: i32, %arg1: memref<1000x128xf32, #tpu.memory_space<vmem>>, %arg2: memref<128x128xf32, #tpu.memory_space<vmem>>, %arg3: memref<1x128xf32, #tpu.memory_space<vmem>>, %arg4: memref<1000x128xf32, #tpu.memory_space<vmem>>) attributes {dimension_semantics = [#tpu.dimension_semantics<arbitrary>], iteration_bounds = array<i64: 10>, scalar_prefetch = 0 : i64, scratch_operands = 0 : i64, tpu.core_type = #tpu.core_type<tc>, window_params = [{transform_indices = @transform_0, window_bounds = array<i64: 1000, 128>}, {pipeline_mode = #tpu.pipeline_mode<synchronous>, transform_indices = @transform_1, window_bounds = array<i64: 128, 128>}, {pipeline_mode = #tpu.pipeline_mode<synchronous>, transform_indices = @transform_2, window_bounds = array<i64: 1, 128>}, {transform_indices = @transform_3, window_bounds = array<i64: 1000, 128>}]} {
    %get3A = arith.constant 0 : index
    %get3A_0 = arith.constant 0 : index
    %get3A_1 = vector.load %arg1[%get3A, %get3A_0] : memref<1000x128xf32, #tpu.memory_space<vmem>>, vector<1000x128xf32>
    %get3A_2 = arith.constant 0 : index
    %get3A_3 = arith.constant 0 : index
    %get3A_4 = vector.load %arg2[%get3A_2, %get3A_3] : memref<128x128xf32, #tpu.memory_space<vmem>>, vector<128x128xf32>
    %dot_general3A = arith.constant dense<0.000000e+00> : vector<1000x128xf32>
    %dot_general3A_5 = tpu.matmul %get3A_1, %get3A_4, %dot_general3A {dimension_numbers = #tpu.dot_dimension_numbers<[1], [0], [0], [1], [0, 0, 1, 1], [], []>, transpose_lhs_hint = false} : vector<1000x128xf32>, vector<128x128xf32>, vector<1000x128xf32> -> vector<1000x128xf32>
    %get3A_6 = arith.constant 0 : index
    %get3A_7 = arith.constant 0 : index
    %get3A_8 = vector.load %arg3[%get3A_6, %get3A_7] : memref<1x128xf32, #tpu.memory_space<vmem>>, vector<1x128xf32>
    %add3A = vector.broadcast %get3A_8 : vector<1x128xf32> to vector<1000x128xf32>
    %add3A_9 = arith.addf %dot_general3A_5, %add3A : vector<1000x128xf32>
    %swap3A = arith.constant 0 : index
    %swap3A_10 = arith.constant 0 : index
    %swap3A_11 = vector.load %arg4[%swap3A, %swap3A_10] : memref<1000x128xf32, #tpu.memory_space<vmem>>, vector<1000x128xf32>
    tpu.vector_store %arg4[%swap3A, %swap3A_10], %add3A_9 {strides = array<i32>} : memref<1000x128xf32, #tpu.memory_space<vmem>>, vector<1000x128xf32>,
    return
  }
  func.func @transform_0(%arg0: i32) -> (i32, i32) {
    %c0_i32 = arith.constant 0 : i32
    %c0_i32_0 = arith.constant 0 : i32
    return %arg0, %c0_i32 : i32, i32
  }
  func.func @transform_1(%arg0: i32) -> (i32, i32) {
    %c0_i32 = arith.constant 0 : i32
    %c0_i32_0 = arith.constant 0 : i32
    %c0_i32_1 = arith.constant 0 : i32
    return %c0_i32, %c0_i32_0 : i32, i32
  }
  func.func @transform_2(%arg0: i32) -> (i32, i32) {
    %c0_i32 = arith.constant 0 : i32
    %c0_i32_0 = arith.constant 0 : i32
    %c0_i32_1 = arith.constant 0 : i32
    return %c0_i32, %c0_i32_0 : i32, i32
  }
  func.func @transform_3(%arg0: i32) -> (i32, i32) {
    %c0_i32 = arith.constant 0 : i32
    %c0_i32_0 = arith.constant 0 : i32
    return %arg0, %c0_i32 : i32, i32
  }
}

module attributes {stable_mosaic.version = 14 : i64} {
  func.func @body(%arg0: i32, %arg1: memref<1024x128xf32, #tpu.memory_space<vmem>>, %arg2: memref<1024x128xf32, #tpu.memory_space<vmem>>, %arg3: memref<1024x128xf32, #tpu.memory_space<vmem>>, %arg4: memref<8x128xf32, #tpu.memory_space<vmem>>, %arg5: memref<8x128xf32, #tpu.memory_space<vmem>>, %arg6: memref<128x128xf32, #tpu.memory_space<vmem>>, %arg7: memref<1024x128xf32, #tpu.memory_space<vmem>>) attributes {dimension_semantics = [#tpu.dimension_semantics<arbitrary>], iteration_bounds = array<i64: 10>, scalar_prefetch = 0 : i64, scratch_operands = 0 : i64, tpu.core_type = #tpu.core_type<tc>, window_params = [{transform_indices = @transform_0, window_bounds = array<i64: 1024, 128>}, {transform_indices = @transform_1, window_bounds = array<i64: 1024, 128>}, {transform_indices = @transform_2, window_bounds = array<i64: 1024, 128>}, {transform_indices = @transform_3, window_bounds = array<i64: 8, 128>}, {transform_indices = @transform_4, window_bounds = array<i64: 8, 128>}, {pipeline_mode = #tpu.pipeline_mode<synchronous>, transform_indices = @transform_5, window_bounds = array<i64: 128, 128>}, {transform_indices = @transform_6, window_bounds = array<i64: 1024, 128>}]} {
    %get3A = arith.constant 0 : index
    %get3A_0 = arith.constant 0 : index
    %get3A_1 = vector.load %arg4[%get3A, %get3A_0] : memref<8x128xf32, #tpu.memory_space<vmem>>, vector<8x128xf32>
    %get3A_2 = arith.constant 0 : index
    %get3A_3 = arith.constant 0 : index
    %get3A_4 = vector.load %arg5[%get3A_2, %get3A_3] : memref<8x128xf32, #tpu.memory_space<vmem>>, vector<8x128xf32>
    %add3A = arith.addf %get3A_1, %get3A_4 : vector<8x128xf32>
    %iota3A = tpu.iota {dimensions = array<i32: 0>} : vector<128x128xi32>
    %iota3A_5 = tpu.iota {dimensions = array<i32: 1>} : vector<128x128xi32>
    %eq3A = arith.cmpi eq, %iota3A, %iota3A_5 : vector<128x128xi32>
    %convert_element_type3A = arith.extui %eq3A : vector<128x128xi1> to vector<128x128xi32>
    %convert_element_type3A_6 = arith.sitofp %convert_element_type3A : vector<128x128xi32> to vector<128x128xf32>
    %slice3A = vector.extract_strided_slice %add3A {offsets = [0, 0], sizes = [1, 128], strides = [1, 1]} : vector<8x128xf32> to vector<1x128xf32>
    %broadcast_in_dim3A = vector.shape_cast %slice3A : vector<1x128xf32> to vector<1x128xf32>
    %broadcast_in_dim3A_7 = vector.broadcast %broadcast_in_dim3A : vector<1x128xf32> to vector<128x128xf32>
    %mul3A = arith.mulf %broadcast_in_dim3A_7, %convert_element_type3A_6 : vector<128x128xf32>
    %reduce_sum3A = arith.constant dense<0.000000e+00> : vector<128xf32>
    %reduce_sum3A_8 = vector.multi_reduction <add>, %mul3A, %reduce_sum3A [1] : vector<128x128xf32> to vector<128xf32>
    %broadcast_in_dim3A_9 = vector.shape_cast %reduce_sum3A_8 : vector<128xf32> to vector<128x1xf32>
    %get3A_10 = arith.constant 0 : index
    %get3A_11 = arith.constant 0 : index
    %get3A_12 = vector.load %arg2[%get3A_10, %get3A_11] : memref<1024x128xf32, #tpu.memory_space<vmem>>, vector<128x128xf32>
    %get3A_13 = arith.constant 0 : index
    %get3A_14 = arith.constant 0 : index
    %get3A_15 = vector.load %arg3[%get3A_13, %get3A_14] : memref<1024x128xf32, #tpu.memory_space<vmem>>, vector<128x128xf32>
    %add3A_16 = arith.addf %get3A_12, %get3A_15 : vector<128x128xf32>
    %max3A = arith.constant 1.000000e+00 : f32
    %max3A_17 = vector.broadcast %max3A : f32 to vector<128x1xf32>
    %max3A_18 = arith.maximumf %broadcast_in_dim3A_9, %max3A_17 : vector<128x1xf32>
    %div3A = vector.broadcast %max3A_18 : vector<128x1xf32> to vector<128x128xf32>
    %div3A_19 = arith.divf %add3A_16, %div3A : vector<128x128xf32>
    %get3A_20 = arith.constant 0 : index
    %get3A_21 = arith.constant 0 : index
    %get3A_22 = vector.load %arg1[%get3A_20, %get3A_21] : memref<1024x128xf32, #tpu.memory_space<vmem>>, vector<128x128xf32>
    %get3A_23 = arith.constant 0 : index
    %get3A_24 = arith.constant 0 : index
    %get3A_25 = vector.load %arg6[%get3A_23, %get3A_24] : memref<128x128xf32, #tpu.memory_space<vmem>>, vector<128x128xf32>
    %dot_general3A = arith.constant dense<0.000000e+00> : vector<128x128xf32>
    %dot_general3A_26 = tpu.matmul %div3A_19, %get3A_25, %dot_general3A {dimension_numbers = #tpu.dot_dimension_numbers<[1], [0], [0], [1], [0, 0, 1, 1], [], []>, transpose_lhs_hint = false} : vector<128x128xf32>, vector<128x128xf32>, vector<128x128xf32> -> vector<128x128xf32>
    %add3A_27 = arith.addf %get3A_22, %dot_general3A_26 : vector<128x128xf32>
    %swap3A = arith.constant 0 : index
    %swap3A_28 = arith.constant 0 : index
    %swap3A_29 = vector.load %arg7[%swap3A, %swap3A_28] : memref<1024x128xf32, #tpu.memory_space<vmem>>, vector<128x128xf32>
    tpu.vector_store %arg7[%swap3A, %swap3A_28], %add3A_27 {strides = array<i32>} : memref<1024x128xf32, #tpu.memory_space<vmem>>, vector<128x128xf32>,
    %slice3A_30 = vector.extract_strided_slice %add3A {offsets = [1, 0], sizes = [1, 128], strides = [1, 1]} : vector<8x128xf32> to vector<1x128xf32>
    %broadcast_in_dim3A_31 = vector.shape_cast %slice3A_30 : vector<1x128xf32> to vector<1x128xf32>
    %broadcast_in_dim3A_32 = vector.broadcast %broadcast_in_dim3A_31 : vector<1x128xf32> to vector<128x128xf32>
    %mul3A_33 = arith.mulf %broadcast_in_dim3A_32, %convert_element_type3A_6 : vector<128x128xf32>
    %reduce_sum3A_34 = arith.constant dense<0.000000e+00> : vector<128xf32>
    %reduce_sum3A_35 = vector.multi_reduction <add>, %mul3A_33, %reduce_sum3A_34 [1] : vector<128x128xf32> to vector<128xf32>
    %broadcast_in_dim3A_36 = vector.shape_cast %reduce_sum3A_35 : vector<128xf32> to vector<128x1xf32>
    %get3A_37 = arith.constant 128 : index
    %get3A_38 = arith.constant 0 : index
    %get3A_39 = vector.load %arg2[%get3A_37, %get3A_38] : memref<1024x128xf32, #tpu.memory_space<vmem>>, vector<128x128xf32>
    %get3A_40 = arith.constant 128 : index
    %get3A_41 = arith.constant 0 : index
    %get3A_42 = vector.load %arg3[%get3A_40, %get3A_41] : memref<1024x128xf32, #tpu.memory_space<vmem>>, vector<128x128xf32>
    %add3A_43 = arith.addf %get3A_39, %get3A_42 : vector<128x128xf32>
    %max3A_44 = arith.constant 1.000000e+00 : f32
    %max3A_45 = vector.broadcast %max3A_44 : f32 to vector<128x1xf32>
    %max3A_46 = arith.maximumf %broadcast_in_dim3A_36, %max3A_45 : vector<128x1xf32>
    %div3A_47 = vector.broadcast %max3A_46 : vector<128x1xf32> to vector<128x128xf32>
    %div3A_48 = arith.divf %add3A_43, %div3A_47 : vector<128x128xf32>
    %get3A_49 = arith.constant 128 : index
    %get3A_50 = arith.constant 0 : index
    %get3A_51 = vector.load %arg1[%get3A_49, %get3A_50] : memref<1024x128xf32, #tpu.memory_space<vmem>>, vector<128x128xf32>
    %get3A_52 = arith.constant 0 : index
    %get3A_53 = arith.constant 0 : index
    %get3A_54 = vector.load %arg6[%get3A_52, %get3A_53] : memref<128x128xf32, #tpu.memory_space<vmem>>, vector<128x128xf32>
    %dot_general3A_55 = arith.constant dense<0.000000e+00> : vector<128x128xf32>
    %dot_general3A_56 = tpu.matmul %div3A_48, %get3A_54, %dot_general3A_55 {dimension_numbers = #tpu.dot_dimension_numbers<[1], [0], [0], [1], [0, 0, 1, 1], [], []>, transpose_lhs_hint = false} : vector<128x128xf32>, vector<128x128xf32>, vector<128x128xf32> -> vector<128x128xf32>
    %add3A_57 = arith.addf %get3A_51, %dot_general3A_56 : vector<128x128xf32>
    %swap3A_58 = arith.constant 128 : index
    %swap3A_59 = arith.constant 0 : index
    %swap3A_60 = vector.load %arg7[%swap3A_58, %swap3A_59] : memref<1024x128xf32, #tpu.memory_space<vmem>>, vector<128x128xf32>
    tpu.vector_store %arg7[%swap3A_58, %swap3A_59], %add3A_57 {strides = array<i32>} : memref<1024x128xf32, #tpu.memory_space<vmem>>, vector<128x128xf32>,
    %slice3A_61 = vector.extract_strided_slice %add3A {offsets = [2, 0], sizes = [1, 128], strides = [1, 1]} : vector<8x128xf32> to vector<1x128xf32>
    %broadcast_in_dim3A_62 = vector.shape_cast %slice3A_61 : vector<1x128xf32> to vector<1x128xf32>
    %broadcast_in_dim3A_63 = vector.broadcast %broadcast_in_dim3A_62 : vector<1x128xf32> to vector<128x128xf32>
    %mul3A_64 = arith.mulf %broadcast_in_dim3A_63, %convert_element_type3A_6 : vector<128x128xf32>
    %reduce_sum3A_65 = arith.constant dense<0.000000e+00> : vector<128xf32>
    %reduce_sum3A_66 = vector.multi_reduction <add>, %mul3A_64, %reduce_sum3A_65 [1] : vector<128x128xf32> to vector<128xf32>
    %broadcast_in_dim3A_67 = vector.shape_cast %reduce_sum3A_66 : vector<128xf32> to vector<128x1xf32>
    %get3A_68 = arith.constant 256 : index
    %get3A_69 = arith.constant 0 : index
    %get3A_70 = vector.load %arg2[%get3A_68, %get3A_69] : memref<1024x128xf32, #tpu.memory_space<vmem>>, vector<128x128xf32>
    %get3A_71 = arith.constant 256 : index
    %get3A_72 = arith.constant 0 : index
    %get3A_73 = vector.load %arg3[%get3A_71, %get3A_72] : memref<1024x128xf32, #tpu.memory_space<vmem>>, vector<128x128xf32>
    %add3A_74 = arith.addf %get3A_70, %get3A_73 : vector<128x128xf32>
    %max3A_75 = arith.constant 1.000000e+00 : f32
    %max3A_76 = vector.broadcast %max3A_75 : f32 to vector<128x1xf32>
    %max3A_77 = arith.maximumf %broadcast_in_dim3A_67, %max3A_76 : vector<128x1xf32>
    %div3A_78 = vector.broadcast %max3A_77 : vector<128x1xf32> to vector<128x128xf32>
    %div3A_79 = arith.divf %add3A_74, %div3A_78 : vector<128x128xf32>
    %get3A_80 = arith.constant 256 : index
    %get3A_81 = arith.constant 0 : index
    %get3A_82 = vector.load %arg1[%get3A_80, %get3A_81] : memref<1024x128xf32, #tpu.memory_space<vmem>>, vector<128x128xf32>
    %get3A_83 = arith.constant 0 : index
    %get3A_84 = arith.constant 0 : index
    %get3A_85 = vector.load %arg6[%get3A_83, %get3A_84] : memref<128x128xf32, #tpu.memory_space<vmem>>, vector<128x128xf32>
    %dot_general3A_86 = arith.constant dense<0.000000e+00> : vector<128x128xf32>
    %dot_general3A_87 = tpu.matmul %div3A_79, %get3A_85, %dot_general3A_86 {dimension_numbers = #tpu.dot_dimension_numbers<[1], [0], [0], [1], [0, 0, 1, 1], [], []>, transpose_lhs_hint = false} : vector<128x128xf32>, vector<128x128xf32>, vector<128x128xf32> -> vector<128x128xf32>
    %add3A_88 = arith.addf %get3A_82, %dot_general3A_87 : vector<128x128xf32>
    %swap3A_89 = arith.constant 256 : index
    %swap3A_90 = arith.constant 0 : index
    %swap3A_91 = vector.load %arg7[%swap3A_89, %swap3A_90] : memref<1024x128xf32, #tpu.memory_space<vmem>>, vector<128x128xf32>
    tpu.vector_store %arg7[%swap3A_89, %swap3A_90], %add3A_88 {strides = array<i32>} : memref<1024x128xf32, #tpu.memory_space<vmem>>, vector<128x128xf32>,
    %slice3A_92 = vector.extract_strided_slice %add3A {offsets = [3, 0], sizes = [1, 128], strides = [1, 1]} : vector<8x128xf32> to vector<1x128xf32>
    %broadcast_in_dim3A_93 = vector.shape_cast %slice3A_92 : vector<1x128xf32> to vector<1x128xf32>
    %broadcast_in_dim3A_94 = vector.broadcast %broadcast_in_dim3A_93 : vector<1x128xf32> to vector<128x128xf32>
    %mul3A_95 = arith.mulf %broadcast_in_dim3A_94, %convert_element_type3A_6 : vector<128x128xf32>
    %reduce_sum3A_96 = arith.constant dense<0.000000e+00> : vector<128xf32>
    %reduce_sum3A_97 = vector.multi_reduction <add>, %mul3A_95, %reduce_sum3A_96 [1] : vector<128x128xf32> to vector<128xf32>
    %broadcast_in_dim3A_98 = vector.shape_cast %reduce_sum3A_97 : vector<128xf32> to vector<128x1xf32>
    %get3A_99 = arith.constant 384 : index
    %get3A_100 = arith.constant 0 : index
    %get3A_101 = vector.load %arg2[%get3A_99, %get3A_100] : memref<1024x128xf32, #tpu.memory_space<vmem>>, vector<128x128xf32>
    %get3A_102 = arith.constant 384 : index
    %get3A_103 = arith.constant 0 : index
    %get3A_104 = vector.load %arg3[%get3A_102, %get3A_103] : memref<1024x128xf32, #tpu.memory_space<vmem>>, vector<128x128xf32>
    %add3A_105 = arith.addf %get3A_101, %get3A_104 : vector<128x128xf32>
    %max3A_106 = arith.constant 1.000000e+00 : f32
    %max3A_107 = vector.broadcast %max3A_106 : f32 to vector<128x1xf32>
    %max3A_108 = arith.maximumf %broadcast_in_dim3A_98, %max3A_107 : vector<128x1xf32>
    %div3A_109 = vector.broadcast %max3A_108 : vector<128x1xf32> to vector<128x128xf32>
    %div3A_110 = arith.divf %add3A_105, %div3A_109 : vector<128x128xf32>
    %get3A_111 = arith.constant 384 : index
    %get3A_112 = arith.constant 0 : index
    %get3A_113 = vector.load %arg1[%get3A_111, %get3A_112] : memref<1024x128xf32, #tpu.memory_space<vmem>>, vector<128x128xf32>
    %get3A_114 = arith.constant 0 : index
    %get3A_115 = arith.constant 0 : index
    %get3A_116 = vector.load %arg6[%get3A_114, %get3A_115] : memref<128x128xf32, #tpu.memory_space<vmem>>, vector<128x128xf32>
    %dot_general3A_117 = arith.constant dense<0.000000e+00> : vector<128x128xf32>
    %dot_general3A_118 = tpu.matmul %div3A_110, %get3A_116, %dot_general3A_117 {dimension_numbers = #tpu.dot_dimension_numbers<[1], [0], [0], [1], [0, 0, 1, 1], [], []>, transpose_lhs_hint = false} : vector<128x128xf32>, vector<128x128xf32>, vector<128x128xf32> -> vector<128x128xf32>
    %add3A_119 = arith.addf %get3A_113, %dot_general3A_118 : vector<128x128xf32>
    %swap3A_120 = arith.constant 384 : index
    %swap3A_121 = arith.constant 0 : index
    %swap3A_122 = vector.load %arg7[%swap3A_120, %swap3A_121] : memref<1024x128xf32, #tpu.memory_space<vmem>>, vector<128x128xf32>
    tpu.vector_store %arg7[%swap3A_120, %swap3A_121], %add3A_119 {strides = array<i32>} : memref<1024x128xf32, #tpu.memory_space<vmem>>, vector<128x128xf32>,
    %slice3A_123 = vector.extract_strided_slice %add3A {offsets = [4, 0], sizes = [1, 128], strides = [1, 1]} : vector<8x128xf32> to vector<1x128xf32>
    %broadcast_in_dim3A_124 = vector.shape_cast %slice3A_123 : vector<1x128xf32> to vector<1x128xf32>
    %broadcast_in_dim3A_125 = vector.broadcast %broadcast_in_dim3A_124 : vector<1x128xf32> to vector<128x128xf32>
    %mul3A_126 = arith.mulf %broadcast_in_dim3A_125, %convert_element_type3A_6 : vector<128x128xf32>
    %reduce_sum3A_127 = arith.constant dense<0.000000e+00> : vector<128xf32>
    %reduce_sum3A_128 = vector.multi_reduction <add>, %mul3A_126, %reduce_sum3A_127 [1] : vector<128x128xf32> to vector<128xf32>
    %broadcast_in_dim3A_129 = vector.shape_cast %reduce_sum3A_128 : vector<128xf32> to vector<128x1xf32>
    %get3A_130 = arith.constant 512 : index
    %get3A_131 = arith.constant 0 : index
    %get3A_132 = vector.load %arg2[%get3A_130, %get3A_131] : memref<1024x128xf32, #tpu.memory_space<vmem>>, vector<128x128xf32>
    %get3A_133 = arith.constant 512 : index
    %get3A_134 = arith.constant 0 : index
    %get3A_135 = vector.load %arg3[%get3A_133, %get3A_134] : memref<1024x128xf32, #tpu.memory_space<vmem>>, vector<128x128xf32>
    %add3A_136 = arith.addf %get3A_132, %get3A_135 : vector<128x128xf32>
    %max3A_137 = arith.constant 1.000000e+00 : f32
    %max3A_138 = vector.broadcast %max3A_137 : f32 to vector<128x1xf32>
    %max3A_139 = arith.maximumf %broadcast_in_dim3A_129, %max3A_138 : vector<128x1xf32>
    %div3A_140 = vector.broadcast %max3A_139 : vector<128x1xf32> to vector<128x128xf32>
    %div3A_141 = arith.divf %add3A_136, %div3A_140 : vector<128x128xf32>
    %get3A_142 = arith.constant 512 : index
    %get3A_143 = arith.constant 0 : index
    %get3A_144 = vector.load %arg1[%get3A_142, %get3A_143] : memref<1024x128xf32, #tpu.memory_space<vmem>>, vector<128x128xf32>
    %get3A_145 = arith.constant 0 : index
    %get3A_146 = arith.constant 0 : index
    %get3A_147 = vector.load %arg6[%get3A_145, %get3A_146] : memref<128x128xf32, #tpu.memory_space<vmem>>, vector<128x128xf32>
    %dot_general3A_148 = arith.constant dense<0.000000e+00> : vector<128x128xf32>
    %dot_general3A_149 = tpu.matmul %div3A_141, %get3A_147, %dot_general3A_148 {dimension_numbers = #tpu.dot_dimension_numbers<[1], [0], [0], [1], [0, 0, 1, 1], [], []>, transpose_lhs_hint = false} : vector<128x128xf32>, vector<128x128xf32>, vector<128x128xf32> -> vector<128x128xf32>
    %add3A_150 = arith.addf %get3A_144, %dot_general3A_149 : vector<128x128xf32>
    %swap3A_151 = arith.constant 512 : index
    %swap3A_152 = arith.constant 0 : index
    %swap3A_153 = vector.load %arg7[%swap3A_151, %swap3A_152] : memref<1024x128xf32, #tpu.memory_space<vmem>>, vector<128x128xf32>
    tpu.vector_store %arg7[%swap3A_151, %swap3A_152], %add3A_150 {strides = array<i32>} : memref<1024x128xf32, #tpu.memory_space<vmem>>, vector<128x128xf32>,
    %slice3A_154 = vector.extract_strided_slice %add3A {offsets = [5, 0], sizes = [1, 128], strides = [1, 1]} : vector<8x128xf32> to vector<1x128xf32>
    %broadcast_in_dim3A_155 = vector.shape_cast %slice3A_154 : vector<1x128xf32> to vector<1x128xf32>
    %broadcast_in_dim3A_156 = vector.broadcast %broadcast_in_dim3A_155 : vector<1x128xf32> to vector<128x128xf32>
    %mul3A_157 = arith.mulf %broadcast_in_dim3A_156, %convert_element_type3A_6 : vector<128x128xf32>
    %reduce_sum3A_158 = arith.constant dense<0.000000e+00> : vector<128xf32>
    %reduce_sum3A_159 = vector.multi_reduction <add>, %mul3A_157, %reduce_sum3A_158 [1] : vector<128x128xf32> to vector<128xf32>
    %broadcast_in_dim3A_160 = vector.shape_cast %reduce_sum3A_159 : vector<128xf32> to vector<128x1xf32>
    %get3A_161 = arith.constant 640 : index
    %get3A_162 = arith.constant 0 : index
    %get3A_163 = vector.load %arg2[%get3A_161, %get3A_162] : memref<1024x128xf32, #tpu.memory_space<vmem>>, vector<128x128xf32>
    %get3A_164 = arith.constant 640 : index
    %get3A_165 = arith.constant 0 : index
    %get3A_166 = vector.load %arg3[%get3A_164, %get3A_165] : memref<1024x128xf32, #tpu.memory_space<vmem>>, vector<128x128xf32>
    %add3A_167 = arith.addf %get3A_163, %get3A_166 : vector<128x128xf32>
    %max3A_168 = arith.constant 1.000000e+00 : f32
    %max3A_169 = vector.broadcast %max3A_168 : f32 to vector<128x1xf32>
    %max3A_170 = arith.maximumf %broadcast_in_dim3A_160, %max3A_169 : vector<128x1xf32>
    %div3A_171 = vector.broadcast %max3A_170 : vector<128x1xf32> to vector<128x128xf32>
    %div3A_172 = arith.divf %add3A_167, %div3A_171 : vector<128x128xf32>
    %get3A_173 = arith.constant 640 : index
    %get3A_174 = arith.constant 0 : index
    %get3A_175 = vector.load %arg1[%get3A_173, %get3A_174] : memref<1024x128xf32, #tpu.memory_space<vmem>>, vector<128x128xf32>
    %get3A_176 = arith.constant 0 : index
    %get3A_177 = arith.constant 0 : index
    %get3A_178 = vector.load %arg6[%get3A_176, %get3A_177] : memref<128x128xf32, #tpu.memory_space<vmem>>, vector<128x128xf32>
    %dot_general3A_179 = arith.constant dense<0.000000e+00> : vector<128x128xf32>
    %dot_general3A_180 = tpu.matmul %div3A_172, %get3A_178, %dot_general3A_179 {dimension_numbers = #tpu.dot_dimension_numbers<[1], [0], [0], [1], [0, 0, 1, 1], [], []>, transpose_lhs_hint = false} : vector<128x128xf32>, vector<128x128xf32>, vector<128x128xf32> -> vector<128x128xf32>
    %add3A_181 = arith.addf %get3A_175, %dot_general3A_180 : vector<128x128xf32>
    %swap3A_182 = arith.constant 640 : index
    %swap3A_183 = arith.constant 0 : index
    %swap3A_184 = vector.load %arg7[%swap3A_182, %swap3A_183] : memref<1024x128xf32, #tpu.memory_space<vmem>>, vector<128x128xf32>
    tpu.vector_store %arg7[%swap3A_182, %swap3A_183], %add3A_181 {strides = array<i32>} : memref<1024x128xf32, #tpu.memory_space<vmem>>, vector<128x128xf32>,
    %slice3A_185 = vector.extract_strided_slice %add3A {offsets = [6, 0], sizes = [1, 128], strides = [1, 1]} : vector<8x128xf32> to vector<1x128xf32>
    %broadcast_in_dim3A_186 = vector.shape_cast %slice3A_185 : vector<1x128xf32> to vector<1x128xf32>
    %broadcast_in_dim3A_187 = vector.broadcast %broadcast_in_dim3A_186 : vector<1x128xf32> to vector<128x128xf32>
    %mul3A_188 = arith.mulf %broadcast_in_dim3A_187, %convert_element_type3A_6 : vector<128x128xf32>
    %reduce_sum3A_189 = arith.constant dense<0.000000e+00> : vector<128xf32>
    %reduce_sum3A_190 = vector.multi_reduction <add>, %mul3A_188, %reduce_sum3A_189 [1] : vector<128x128xf32> to vector<128xf32>
    %broadcast_in_dim3A_191 = vector.shape_cast %reduce_sum3A_190 : vector<128xf32> to vector<128x1xf32>
    %get3A_192 = arith.constant 768 : index
    %get3A_193 = arith.constant 0 : index
    %get3A_194 = vector.load %arg2[%get3A_192, %get3A_193] : memref<1024x128xf32, #tpu.memory_space<vmem>>, vector<128x128xf32>
    %get3A_195 = arith.constant 768 : index
    %get3A_196 = arith.constant 0 : index
    %get3A_197 = vector.load %arg3[%get3A_195, %get3A_196] : memref<1024x128xf32, #tpu.memory_space<vmem>>, vector<128x128xf32>
    %add3A_198 = arith.addf %get3A_194, %get3A_197 : vector<128x128xf32>
    %max3A_199 = arith.constant 1.000000e+00 : f32
    %max3A_200 = vector.broadcast %max3A_199 : f32 to vector<128x1xf32>
    %max3A_201 = arith.maximumf %broadcast_in_dim3A_191, %max3A_200 : vector<128x1xf32>
    %div3A_202 = vector.broadcast %max3A_201 : vector<128x1xf32> to vector<128x128xf32>
    %div3A_203 = arith.divf %add3A_198, %div3A_202 : vector<128x128xf32>
    %get3A_204 = arith.constant 768 : index
    %get3A_205 = arith.constant 0 : index
    %get3A_206 = vector.load %arg1[%get3A_204, %get3A_205] : memref<1024x128xf32, #tpu.memory_space<vmem>>, vector<128x128xf32>
    %get3A_207 = arith.constant 0 : index
    %get3A_208 = arith.constant 0 : index
    %get3A_209 = vector.load %arg6[%get3A_207, %get3A_208] : memref<128x128xf32, #tpu.memory_space<vmem>>, vector<128x128xf32>
    %dot_general3A_210 = arith.constant dense<0.000000e+00> : vector<128x128xf32>
    %dot_general3A_211 = tpu.matmul %div3A_203, %get3A_209, %dot_general3A_210 {dimension_numbers = #tpu.dot_dimension_numbers<[1], [0], [0], [1], [0, 0, 1, 1], [], []>, transpose_lhs_hint = false} : vector<128x128xf32>, vector<128x128xf32>, vector<128x128xf32> -> vector<128x128xf32>
    %add3A_212 = arith.addf %get3A_206, %dot_general3A_211 : vector<128x128xf32>
    %swap3A_213 = arith.constant 768 : index
    %swap3A_214 = arith.constant 0 : index
    %swap3A_215 = vector.load %arg7[%swap3A_213, %swap3A_214] : memref<1024x128xf32, #tpu.memory_space<vmem>>, vector<128x128xf32>
    tpu.vector_store %arg7[%swap3A_213, %swap3A_214], %add3A_212 {strides = array<i32>} : memref<1024x128xf32, #tpu.memory_space<vmem>>, vector<128x128xf32>,
    %slice3A_216 = vector.extract_strided_slice %add3A {offsets = [7, 0], sizes = [1, 128], strides = [1, 1]} : vector<8x128xf32> to vector<1x128xf32>
    %broadcast_in_dim3A_217 = vector.shape_cast %slice3A_216 : vector<1x128xf32> to vector<1x128xf32>
    %broadcast_in_dim3A_218 = vector.broadcast %broadcast_in_dim3A_217 : vector<1x128xf32> to vector<128x128xf32>
    %mul3A_219 = arith.mulf %broadcast_in_dim3A_218, %convert_element_type3A_6 : vector<128x128xf32>
    %reduce_sum3A_220 = arith.constant dense<0.000000e+00> : vector<128xf32>
    %reduce_sum3A_221 = vector.multi_reduction <add>, %mul3A_219, %reduce_sum3A_220 [1] : vector<128x128xf32> to vector<128xf32>
    %broadcast_in_dim3A_222 = vector.shape_cast %reduce_sum3A_221 : vector<128xf32> to vector<128x1xf32>
    %get3A_223 = arith.constant 896 : index
    %get3A_224 = arith.constant 0 : index
    %get3A_225 = vector.load %arg2[%get3A_223, %get3A_224] : memref<1024x128xf32, #tpu.memory_space<vmem>>, vector<128x128xf32>
    %get3A_226 = arith.constant 896 : index
    %get3A_227 = arith.constant 0 : index
    %get3A_228 = vector.load %arg3[%get3A_226, %get3A_227] : memref<1024x128xf32, #tpu.memory_space<vmem>>, vector<128x128xf32>
    %add3A_229 = arith.addf %get3A_225, %get3A_228 : vector<128x128xf32>
    %max3A_230 = arith.constant 1.000000e+00 : f32
    %max3A_231 = vector.broadcast %max3A_230 : f32 to vector<128x1xf32>
    %max3A_232 = arith.maximumf %broadcast_in_dim3A_222, %max3A_231 : vector<128x1xf32>
    %div3A_233 = vector.broadcast %max3A_232 : vector<128x1xf32> to vector<128x128xf32>
    %div3A_234 = arith.divf %add3A_229, %div3A_233 : vector<128x128xf32>
    %get3A_235 = arith.constant 896 : index
    %get3A_236 = arith.constant 0 : index
    %get3A_237 = vector.load %arg1[%get3A_235, %get3A_236] : memref<1024x128xf32, #tpu.memory_space<vmem>>, vector<128x128xf32>
    %get3A_238 = arith.constant 0 : index
    %get3A_239 = arith.constant 0 : index
    %get3A_240 = vector.load %arg6[%get3A_238, %get3A_239] : memref<128x128xf32, #tpu.memory_space<vmem>>, vector<128x128xf32>
    %dot_general3A_241 = arith.constant dense<0.000000e+00> : vector<128x128xf32>
    %dot_general3A_242 = tpu.matmul %div3A_234, %get3A_240, %dot_general3A_241 {dimension_numbers = #tpu.dot_dimension_numbers<[1], [0], [0], [1], [0, 0, 1, 1], [], []>, transpose_lhs_hint = false} : vector<128x128xf32>, vector<128x128xf32>, vector<128x128xf32> -> vector<128x128xf32>
    %add3A_243 = arith.addf %get3A_237, %dot_general3A_242 : vector<128x128xf32>
    %swap3A_244 = arith.constant 896 : index
    %swap3A_245 = arith.constant 0 : index
    %swap3A_246 = vector.load %arg7[%swap3A_244, %swap3A_245] : memref<1024x128xf32, #tpu.memory_space<vmem>>, vector<128x128xf32>
    tpu.vector_store %arg7[%swap3A_244, %swap3A_245], %add3A_243 {strides = array<i32>} : memref<1024x128xf32, #tpu.memory_space<vmem>>, vector<128x128xf32>,
    return
  }
  func.func @transform_0(%arg0: i32) -> (i32, i32) {
    %c0_i32 = arith.constant 0 : i32
    %c0_i32_0 = arith.constant 0 : i32
    return %arg0, %c0_i32 : i32, i32
  }
  func.func @transform_1(%arg0: i32) -> (i32, i32) {
    %c0_i32 = arith.constant 0 : i32
    %c0_i32_0 = arith.constant 0 : i32
    return %arg0, %c0_i32 : i32, i32
  }
  func.func @transform_2(%arg0: i32) -> (i32, i32) {
    %c0_i32 = arith.constant 0 : i32
    %c0_i32_0 = arith.constant 0 : i32
    return %arg0, %c0_i32 : i32, i32
  }
  func.func @transform_3(%arg0: i32) -> (i32, i32) {
    %c0_i32 = arith.constant 0 : i32
    %c0_i32_0 = arith.constant 0 : i32
    return %arg0, %c0_i32 : i32, i32
  }
  func.func @transform_4(%arg0: i32) -> (i32, i32) {
    %c0_i32 = arith.constant 0 : i32
    %c0_i32_0 = arith.constant 0 : i32
    return %arg0, %c0_i32 : i32, i32
  }
  func.func @transform_5(%arg0: i32) -> (i32, i32) {
    %c0_i32 = arith.constant 0 : i32
    %c0_i32_0 = arith.constant 0 : i32
    %c0_i32_1 = arith.constant 0 : i32
    return %c0_i32, %c0_i32_0 : i32, i32
  }
  func.func @transform_6(%arg0: i32) -> (i32, i32) {
    %c0_i32 = arith.constant 0 : i32
    %c0_i32_0 = arith.constant 0 : i32
    return %arg0, %c0_i32 : i32, i32
  }
}

</mosaic_0001>

<sc_bundles>
// kernel: kernel.5.cloned.1.call-start
scs
__scs_entry_jumppad:
0x0: {  	(pc) =	sbr.rel $0x88, $3  }
0x1: {  	(tag) =	ssettag $0x0;
	lr =	simm.s32 $0x1  }
0x2: {  	[smem:$0x3F9D] =	sst lr;
	_ =	strace $0xD0000000  }
0x3: {  	_ = 	snop  }
0x4: {  	_ = 	snop  }
0x5: {  	_ = 	snop  }
0x6: {  	_ = 	snop  }
0x7: {  	_ = 	snop  }
__scs_overlays_trampoline_lowered:
0x8: {  	[smem:$0x3FAC] =	sst s0  }
0x9: {  	[smem:$0x3FAD] =	sst s1  }
0xa: {  	[smem:$0x3FAE] =	sst s2  }
0xb: {  	[smem:$0x3FAF] =	sst s3  }
0xc: {  	[smem:$0x3FB0] =	sst s4  }
0xd: {  	[smem:$0x3FB1] =	sst s5  }
0xe: {  	[smem:$0x3FB2] =	sst s6  }
0xf: {  	[smem:$0x3FB3] =	sst s7  }
0x10: {  	[smem:$0x3FB4] =	sst s8  }
0x11: {  	[smem:$0x3FB5] =	sst s9;
	s0 =	simm.s32 @!p0 $0x0  }
0x12: {  	s1 =	sld [smem:$0x3F9B];
	s0 =	simm.s32 @p0 $0x1  }
0x13: {  	[smem:$0x3FB6] =	sst s0;
	s0 =	simm.s32 @!p1 $0x0  }
0x14: {  	s2 =	sld [smem:$0x3F9A];
	s0 =	simm.s32 @p1 $0x1  }
0x15: {  	[smem:$0x3FB7] =	sst s0;
	s0 =	simm.s32 @!p2 $0x0  }
0x16: {  	s3 =	sld [smem:$0x3FDB];
	s0 =	simm.s32 @p2 $0x1  }
0x17: {  	s4 =	simm.s32 $0x1BF5;
	[smem:$0x3FB9] =	sst s0  }
0x18: {  	s0 =	sld [smem:$0x3F9C];
	_ =	swait.ge [sflag:s4], $0x0  }
0x19: {  	s7 =	sld [smem:$0x3F9D]  }
0x1a: {  	s8 =	sadd.s32 $0xFFFFE003, lr  }
0x1b: {  	s9 =	sadd.s32 $0xFFFFFEF7, lr;
	s5 =	simm.s32 $0xFFFFFFFF;
	p2 =	slt.u32 s8, $0xFFFFF086  }
0x1c: {  	p1 =	slt.u32 s9, $0xF7A;
	s5 =	simm.s32 @!p2 $0x0  }
0x1d: {  	s5 =	simm.s32 @p1 $0x1;
	p0 =	seq.s32 s7, s2  }
0x1e: {  	s7 =	smul.u32 @!p0 $0xF7A, s2;
	p2 =	seq.s32 @!p0 s5, $0x0  }
0x1f: {  	s9 =	smul.u32 $0xF7A, s1;
	s8 =	simm.s32 @!p0 $0x1BF5;
	p2 =	por !p2, p0  }
0x20: {  	[sflag:s8] =	ssyncset.s32 @!p0 $0xFFFFF086;
	s6 =	sadd.s32 @!p0 s3, s7;
	s7 =	simm.s32 @!p0 $0x108  }
0x21: {  	s3 =	sadd.s32 s3, s9;
	s6 =	sadd.s32 @!p0 $0x88, s6;
	s7 =	simm.s32 @p2 $0x1082  }
0x22: {  	[simem:s7], [sflag:s8] =	dma.local @!p0 [hbm:s6], $0xF7A  }
0x23: {  	s9 =	sor.u32 $0xD0000000, s2;
	s6 =	simm.s32 $0x108;
	_ =	swait.ge @!p0 [sflag:s8], $0x0  }
0x24: {  	s3 =	sadd.s32 $0x88, s3;
	s6 =	simm.s32 @!p1 $0x1082;
	[sflag:s4] =	ssyncset.s32 $0xFFFFF086  }
0x25: {  	[simem:s6], [sflag:s4] =	dma.local [hbm:s3], $0xF7A  }
0x26: {  	[smem:$0x3F9D] =	sst s1;
	(tag) =	ssettag s2;
	_ =	strace s9  }
0x27: {  	s1 =	sld [smem:$0x3FAD]  }
0x28: {  	s2 =	sld [smem:$0x3FAE]  }
0x29: {  	s4 =	sld [smem:$0x3FB0]  }
0x2a: {  	p0 =	seq.s32 s5, $0x0;
	s5 =	sld [smem:$0x3FB1]  }
0x2b: {  	s6 =	sld [smem:$0x3FB2]  }
0x2c: {  	s7 =	sld [smem:$0x3FB3]  }
0x2d: {  	s3 =	simm.s32 $0x108;
	s8 =	sld [smem:$0x3FB4]  }
0x2e: {  	s3 =	simm.s32 @!p0 $0x1082;
	s9 =	sld [smem:$0x3FB5]  }
0x2f: {  	lr =	sadd.s32 s0, s3;
	s0 =	sld [smem:$0x3FAC]  }
0x30: {  	s3 =	sld [smem:$0x3FAF]  }
0x31: {  	[smem:$0x3FB8] =	sst s10  }
0x32: {  	s10 =	sld [smem:$0x3FB6];
	_ =	sdelay $0x3  }
0x33: {  	p0 =	seq.s32 s10, $0x1;
	s10 =	sld [smem:$0x3FB8];
	_ =	sdelay $0x3  }
0x34: {  	[smem:$0x3FB8] =	sst s10  }
0x35: {  	s10 =	sld [smem:$0x3FB7];
	_ =	sdelay $0x3  }
0x36: {  	p1 =	seq.s32 s10, $0x1;
	s10 =	sld [smem:$0x3FB8];
	_ =	sdelay $0x3  }
0x37: {  	[smem:$0x3FB8] =	sst s10  }
0x38: {  	s10 =	sld [smem:$0x3FB9]  }
0x39: {  	_ = 	snop;
	(pc) =	sbr.ind lr, $3  }
0x3a: {  	_ = 	snop  }
0x3b: {  	_ = 	snop  }
0x3c: {  	p2 =	seq.s32 s10, $0x1;
	s10 =	sld [smem:$0x3FB8]  }
0x3d: {  	_ =	shalt  }
0x3e: {  	_ =	shalt  }
0x3f: {  	_ =	shalt  }
0x40: {  	_ =	shalt  }
0x41: {  	_ =	shalt  }
0x42: {  	_ =	shalt  }
0x43: {  	_ =	shalt  }
0x44: {  	_ =	shalt  }
0x45: {  	_ =	shalt  }
0x46: {  	_ =	shalt  }
0x47: {  	_ =	shalt  }
0x48: {  	_ =	shalt  }
0x49: {  	_ =	shalt  }
0x4a: {  	_ =	shalt  }
0x4b: {  	_ =	shalt  }
0x4c: {  	_ =	shalt  }
0x4d: {  	_ =	shalt  }
0x4e: {  	_ =	shalt  }
0x4f: {  	_ =	shalt  }
0x50: {  	_ =	shalt  }
0x51: {  	_ =	shalt  }
0x52: {  	_ =	shalt  }
0x53: {  	_ =	shalt  }
0x54: {  	_ =	shalt  }
0x55: {  	_ =	shalt  }
0x56: {  	_ =	shalt  }
0x57: {  	_ =	shalt  }
0x58: {  	_ =	shalt  }
0x59: {  	_ =	shalt  }
0x5a: {  	_ =	shalt  }
0x5b: {  	_ =	shalt  }
0x5c: {  	_ =	shalt  }
0x5d: {  	_ =	shalt  }
0x5e: {  	_ =	shalt  }
0x5f: {  	_ =	shalt  }
0x60: {  	_ =	shalt  }
0x61: {  	_ =	shalt  }
0x62: {  	_ =	shalt  }
0x63: {  	_ =	shalt  }
0x64: {  	_ =	shalt  }
0x65: {  	_ =	shalt  }
0x66: {  	_ =	shalt  }
0x67: {  	_ =	shalt  }
0x68: {  	_ =	shalt  }
0x69: {  	_ =	shalt  }
0x6a: {  	_ =	shalt  }
0x6b: {  	_ =	shalt  }
0x6c: {  	_ =	shalt  }
0x6d: {  	_ =	shalt  }
0x6e: {  	_ =	shalt  }
0x6f: {  	_ =	shalt  }
0x70: {  	_ =	shalt  }
0x71: {  	_ =	shalt  }
0x72: {  	_ =	shalt  }
0x73: {  	_ =	shalt  }
0x74: {  	_ =	shalt  }
0x75: {  	_ =	shalt  }
0x76: {  	_ =	shalt  }
0x77: {  	_ =	shalt  }
0x78: {  	_ =	shalt  }
0x79: {  	_ =	shalt  }
0x7a: {  	_ =	shalt  }
0x7b: {  	_ =	shalt  }
0x7c: {  	_ =	shalt  }
0x7d: {  	_ =	shalt  }
0x7e: {  	_ =	shalt  }
0x7f: {  	_ =	shalt  }
0x80: {  	_ =	shalt  }
0x81: {  	_ =	shalt  }
0x82: {  	_ =	shalt  }
0x83: {  	_ =	shalt  }
0x84: {  	_ =	shalt  }
0x85: {  	_ =	shalt  }
0x86: {  	_ =	shalt  }
0x87: {  	_ =	shalt  }
.Lfunc_end0:
.L_simem_size_0:
called_computation_lowered:
.L_overlay_start_0:
0x88: {  	s2 =	sld [smem:$0x3FD9]  }
0x89: {  	s3 =	sld [smem:$0x3FFE];
	_ =	sdelay $0x1  }
0x8a: {  	s1 =	srdreg.scid  }
0x8b: {  	s0 =	sand.u32 $0x1, s1  }
0x8c: {  	s17 =	sshll.u32 s0, $0xA;
	s2 =	sadd.s32 s3, s2  }
0x8d: {  	s2 =	sadd.s32 s2, s17  }
0x8e: {  	[smem:$0x3FC4] =	sst s2  }
0x8f: {  	_ = 	snop  }
0x90: {  	s2 =	sld [smem:$0x3FC9]  }
0x91: {  	s18 =	sld [smem:$0x3FD0];
	(tm) =	ssettm $0x1  }
0x92: {  	s4 =	sld [smem:$0x3FFB];
	_ =	sdelay $0x3  }
0x93: {  	_ =	strace s4  }
0x94: {  	s4 =	sld [smem:$0x3FFC];
	_ =	sdelay $0x3  }
0x95: {  	_ =	strace s4  }
0x96: {  	s4 =	sld [smem:$0x3FFD];
	_ =	sdelay $0x3  }
0x97: {  	_ =	strace s4  }
0x98: {  	_ =	strace $0x8FFFFFFF  }
0x99: {  	s19 =	sld [smem:$0x3FDB];
	_ =	sdelay $0x1  }
0x9a: {  	s5 =	simm.s32 $_scs_section_size  }
0x9b: {  	s6 =	simm.s32 $_size__tile_overlayer_lowered;
	s7 =	simm.s32 $_tile_overlayer_lowered  }
0x9c: {  	s22 =	simm.s32 $0x1BFF;
	s21 =	sshll.u32 s7, $0x1;
	s4 =	sadd.s32 s5, s19  }
0x9d: {  	s8 =	simm.s32 $0x0;
	s20 =	sshll.u32 s6, $0x1;
	s6 =	sadd.s32 s21, s4  }
0x9e: {  	[timem:s8], [sflag:s22] =	dma.local [hbm:s6], s20  }
0x9f: {  	_ =	swait.ge [sflag:s22], s20  }
0xa0: {  	s5 =	ssub.s32 $0x0, s20;
	[sflag:s22] =	ssyncset.done $0x0  }
0xa1: {  	[sflag:s22] =	ssyncadd.s32 s5;
	_ =	sdelay $0x1  }
0xa2: {  	s23 =	simm.s32 $0x1B8B  }
0xa3: {  	_ =	swait.ge [sflag:s23], $0x1  }
0xa4: {  	[sflag:s23] =	ssyncset.done $0x0  }
0xa5: {  	s25 =	simm.s32 $0x1B8E;
	s24 =	sld [smem:$0x3FFE];
	[sflag:s23] =	ssyncadd.s32 $0xFFFFFFFF  }
0xa6: {  	s26 =	simm.s32 $execute0_lowered;
	[smem:$0x3FD2] =	sst s25  }
0xa7: {  	s6 =	sshll.u32 s26, $0x1;
	_ =	strace $0x80000046;
	[dreg:$0x1] =	wrdreg $0xFFFFFFFF  }
0xa8: {  	s28 =	simm.s32 $_size_execute0_lowered;
	s4 =	sadd.s32 s4, s6;
	[dreg:$0x0] =	wrdreg $0x0  }
0xa9: {  	s6 =	sshll.u32 s28, $0x1;
	[dreg:$0x2] =	wrdreg s4  }
0xaa: {  	[dreg:$0x3] =	wrdreg s6  }
0xab: {  	[dreg:$0x4] =	wrdreg $0xC0  }
0xac: {  	_ =	task [dreg:s8], $0x5FFFF  }
0xad: {  	[dreg:$0x1] =	wrdreg $0xFFFFFFFF  }
0xae: {  	[dreg:$0x0] =	wrdreg $0x60  }
0xaf: {  	[dreg:$0x2] =	wrdreg s18  }
0xb0: {  	[dreg:$0x3] =	wrdreg s2  }
0xb1: {  	[dreg:$0x4] =	wrdreg s24  }
0xb2: {  	[dreg:$0x5] =	wrdreg $0xB8800  }
0xb3: {  	[dreg:$0x6] =	wrdreg $0x1F8800  }
0xb4: {  	[dreg:$0x7] =	wrdreg $0x9  }
0xb5: {  	_ =	task.clear_ibuf [dreg:s8], $0x8FFFF;
	_ =	strace $0x90000046  }
0xb6: {  	s29 =	simm.s32 $0x9;
	_ =	strace $0x80000048  }
0xb7: {  	_ =	swait.ge [sflag:s29], $0x1  }
0xb8: {  	[sflag:s29] =	ssyncadd.s32 $0xFFFFFFFF  }
0xb9: {  	_ =	strace $0x90000048  }
0xba: {  	_ =	sfence  }
0xbb: {  	s30 =	sld [smem:$0x0];
	_ =	sdelay $0x2  }
0xbc: {  	s31 =	sshll.u32 s1, $0xD;
	s1 =	sshrl.u32 s1, $0x2  }
0xbd: {  	s3 =	sand.u32 $0x4000, s31;
	s1 =	sadd.s32 s1, s30  }
0xbe: {  	s0 =	sor.u32 s3, s0;
	s1 =	sshll.u32 s1, $0x11  }
0xbf: {  	s0 =	sor.u32 s1, s0  }
0xc0: {  	s0 =	sadd.s32 $0x8F2B, s0  }
0xc1: {  	[sflag:s0] =	ssyncadd.remote.s32 $0x1  }
0xc2: {  	_ =	sfence.sel $0xFFFF  }
0xc3: {  	[dreg:$0x0] =	wrdreg $0xFFFFFFFF;
	(pc) =	sbr.abs _section_cstart, $3  }
0xc4: {  	[dreg:$0x1] =	wrdreg $0xFFFFFFFF  }
0xc5: {  	_ =	task.clear_ibuf [dreg:s8], $0x2FFFF;
	_ =	strace $0x9FFFFFFF  }
0xc6: {  	(tm) =	ssettm $0x7FFFFFFF  }
0xc7: {  	_ =	shalt  }
tec
execute0_lowered:
.L_overlay_start_1:
0x0: {  	(tag) =	ssettag $0x1  }
0x1: {  	s0 =	rddreg [dreg:$0x0]  }
0x2: {  	s1 =	rddreg [dreg:$0x1]  }
0x3: {  	s2 =	rddreg [dreg:$0x2]  }
0x4: {  	s3 =	rddreg [dreg:$0x3]  }
0x5: {  	s4 =	rddreg [dreg:$0x4]  }
0x6: {  	s5 =	srdreg.scid;
	s18 =	stileid.u32;
	s7 =	simm.s32 $0x0  }
0x7: {  	s30 =	simm.s32 $0x3800;
	s31 =	simm.s32 $0x2;
	s5 =	sand.u32 $0x1, s5  }
0x8: {  	s6 =	sshll.u32 s18, $0x1;
	[smem:$0x7FF] =	sst s7;
	s10 =	smul.u32 $0x280, s18  }
0x9: {  	s7 =	sadd.s32 $0x1E00, s2;
	s8 =	sadd.s32 $0x29E00, s2;
	s13 =	smul.u32 $0x50000, s18  }
0xa: {  	s11 =	sadd.s32 $0x51E00, s2;
	s2 =	sadd.s32 $0x52400, s2;
	s22 =	smul.u32 $0x2800, s18  }
0xb: {  	s6 =	sor.u32 s5, s6;
	_ =	strace $0x80000047;
	s21 =	smul.u32 $0x500, s5  }
0xc: {  	s9 =	ssub.s32 $0x2, s5;
	p0 =	seq.s32 s5, $0x1;
	s6 =	smul.u32 $0x500, s6  }
0xd: {  	s12 =	sshrl.u32 s9, $0x1;
	s13 =	sshrl.u32 s13, $0x2;
	s14 =	sadd.s32 $0x80, s10  }
0xe: {  	s24 =	sshrl.u32 s10, $0x3;
	s7 =	smov.u32 @p0 s8;
	s11 =	smov.u32 @p0 s2  }
0xf: {  	p0 =	por $0x0, $0x0;
	s8 =	simm.s32 $0x4;
	s9 =	ssub.s32 s9, s12  }
0x10: {  	s17 =	sshll.u32 s14, $0x7;
	s5 =	sadd.s32 s7, s22;
	s6 =	sshrl.u32 s6, $0x5  }
0x11: {  	s22 =	sadd.s32 s14, s4;
	[dreg:$0xb] =	wrdreg s5;
	s26 =	smin.u32 s6, $0x4C8  }
0x12: {  	s7 =	simm.s32 $0xB800;
	[dreg:$0xf] =	wrdreg s22;
	s15 =	ssub.s32 s6, s26  }
0x13: {  	s6 =	sadd.s32 s13, s3;
	s13 =	sadd.s32 s17, s3;
	s17 =	smul.u32 $0xA00, s18  }
0x14: {  	s12 =	sshll.u32 s26, $0x4;
	s16 =	sadd.s32 $0x2000, s6;
	[dreg:$0x7] =	wrdreg s13  }
0x15: {  	s13 =	sadd.s32 $0x100, s10;
	s19 =	sadd.s32 $0x6000, s6;
	[dreg:$0x6] =	wrdreg s16  }
0x16: {  	s28 =	sadd.s32 $0x12000, s6;
	[dreg:$0x8] =	wrdreg s19;
	s20 =	sshll.u32 s13, $0x7  }
0x17: {  	s19 =	sadd.s32 $0xA000, s6;
	s23 =	sadd.s32 s21, s17;
	s16 =	sadd.s32 s20, s3  }
0x18: {  	[dreg:$0xa] =	wrdreg s19;
	s19 =	sadd.s32 s0, s12;
	s0 =	sadd.s32 $0x180, s10  }
0x19: {  	s25 =	sshrl.u32 s23, $0x5;
	s12 =	sadd.s32 s11, s24;
	s20 =	sadd.s32 $0x200, s10  }
0x1a: {  	s23 =	sadd.s32 s13, s4;
	s24 =	sshll.u32 s15, $0x9;
	[dreg:$0x9] =	wrdreg s16  }
0x1b: {  	s26 =	smin.u32 s25, $0x4C8;
	[dreg:$0xc] =	wrdreg s12;
	s16 =	sshll.u32 s25, $0x9  }
0x1c: {  	s18 =	sshll.u32 s0, $0x7;
	s21 =	sshll.u32 s20, $0x7;
	[dreg:$0x10] =	wrdreg s23  }
0x1d: {  	s0 =	sadd.s32 s0, s4;
	s23 =	sshra.s32 s24, $0x2;
	s24 =	smax.u32 s9, $0x1  }
0x1e: {  	s22 =	smov.u32 s19;
	s29 =	sadd.s32 $0x5000, s19;
	s9 =	simm.s32 $0x0  }
0x1f: {  	s17 =	sshll.u32 s26, $0x9;
	s11 =	sadd.s32 s18, s3;
	s2 =	sadd.s32 s21, s3  }
.Ltmp0:
0x20: {  	s18 =	sadd.s32 s10, s4;
	[dreg:$0x11] =	wrdreg s0;
	(pc) =	sbr.rel .LBB2_1-.Ltmp0, $4  }
0x21: {  	s0 =	simm.s32 $0x3;
	s5 =	ssub.s32 s16, s17;
	[dreg:$0xd] =	wrdreg s11  }
0x22: {  	s16 =	ssub.s32 s25, s26;
	[dreg:$0xe] =	wrdreg s2;
	s25 =	sadd.s32 s20, s4  }
0x23: {  	s2 =	simm.s32 $0x1;
	[dreg:$0x12] =	wrdreg s25;
	s26 =	sshra.s32 s5, $0x2  }
0x24: {  	v0 =	vimm.f32 $0.0e+00;
	v1 =	vimm.f32 $1.000000000e+00;
	s5 =	simm.s32 $0x7D;
	s11 =	sadd.s32 $0x1C00, s26;
	s26 =	sadd.s32 $0xE000, s6  }
.LBB2_12:
0x25: {  	[sflag:s0] =	ssyncadd.s32 $0xFFFFFF83  }
.LBB2_13:
0x26: {  	s10 =	stileid.u32  }
0x27: {  	[bflag:$0x0] =	sbarrier.arrive $0xFFFF;
	s13 =	sshrl.u32 s6, $0x3;
	s10 =	sshll.u32 s10, $0x6  }
0x28: {  	s25 =	sshrl.u32 s18, $0x3;
	s14 =	rddreg [dreg:$0xb];
	s12 =	sor.u32 $0x1C01, s10  }
0x29: {  	[hbm:s14], [sflag:s12] =	dma.local [spmem:s13], $0x2800  }
0x2a: {  	s9 =	sadd.s32 $0x1, s9;
	s10 =	sor.u32 $0x1C02, s10;
	s13 =	rddreg [dreg:$0xc]  }
0x2b: {  	[hbm:s13], [sflag:s10] =	dma.local [spmem:s25], $0x50  }
0x2c: {  	p1 =	sne.s32 s9, s24;
	_ =	swait.ge [sflag:s2], $0x2800  }
.Ltmp1:
0x2d: {  	[sflag:s2] =	ssyncset.done $0x0;
	(pc) =	sbr.rel @!p1 .LBB2_14-.Ltmp1, $4  }
0x2e: {  	[sflag:s2] =	ssyncadd.s32 $0xFFFFD800  }
0x2f: {  	_ =	swait.ge [sflag:s31], $0x50  }
0x30: {  	[sflag:s31] =	ssyncset.done $0x0  }
0x31: {  	[sflag:s31] =	ssyncadd.s32 $0xFFFFFFB0  }
.LBB2_1:
0x32: {  	s10 =	simm.s32 $0x0;
	s12 =	simm.s32 $0x200  }
.LBB2_2:
0x33: {  	p1 =	sne.s32 s12, $0x7E00;
	[tilespmem:s10+$0x3870] =	vst v0  }
0x34: {  	[tilespmem:s10+$0x3800] =	vst v0  }
0x35: {  	[tilespmem:s10+$0x3810] =	vst v0  }
.Ltmp2:
0x36: {  	[tilespmem:s10+$0x3820] =	vst v0;
	(pc) =	sbr.rel @p1 .LBB2_2-.Ltmp2, $4  }
0x37: {  	[tilespmem:s10+$0x3830] =	vst v0  }
0x38: {  	[tilespmem:s10+$0x3840] =	vst v0  }
0x39: {  	[tilespmem:s10+$0x3850] =	vst v0  }
0x3a: {  	[tilespmem:s10+$0x3860] =	vst v0;
	s10 =	sshra.s32 s12, $0x2;
	s12 =	sadd.s32 $0x200, s12  }
0x3b: {  	[tilespmem:s10+$0x3870] =	vst v0  }
0x3c: {  	[tilespmem:s10+$0x3800] =	vst v0  }
0x3d: {  	[tilespmem:s10+$0x3810] =	vst v0  }
0x3e: {  	[tilespmem:s10+$0x3820] =	vst v0  }
0x3f: {  	[tilespmem:s10+$0x3830] =	vst v0  }
0x40: {  	[tilespmem:s10+$0x3840] =	vst v0  }
0x41: {  	[tilespmem:s10+$0x3850] =	vst v0  }
0x42: {  	[tilespmem:s10+$0x3860] =	vst v0  }
0x43: {  	[tilespmem:$0xB800] =	vst v1  }
0x44: {  	[tilespmem:$0xB810] =	vst v1  }
0x45: {  	[tilespmem:$0xB820] =	vst v1  }
0x46: {  	[tilespmem:$0xB830] =	vst v1  }
0x47: {  	[tilespmem:$0xB840] =	vst v1  }
0x48: {  	[tilespmem:$0xB850] =	vst v1  }
0x49: {  	[tilespmem:$0xB860] =	vst v1  }
0x4a: {  	[tilespmem:$0xB870] =	vst v1  }
0x4b: {  	[spmem:s6] =	stream.linear.scatter [tilespmem:s30], [sflag:$0x3], $0x2000, $0x38;
	[tilespmem:$0x1FB00] =	vst v63  }
0x4c: {  	s20 =	rddreg [dreg:$0x6]  }
0x4d: {  	[spmem:s20] =	stream.linear.scatter [tilespmem:s30], [sflag:$0x3], $0x2000, $0x38;
	[tilespmem:$0x1FB00] =	vst v63  }
0x4e: {  	s21 =	rddreg [dreg:$0x7]  }
0x4f: {  	[spmem:s21] =	stream.linear.scatter [tilespmem:s30], [sflag:$0x3], $0x2000, $0x38;
	[tilespmem:$0x1FB00] =	vst v63  }
0x50: {  	s25 =	rddreg [dreg:$0x8]  }
0x51: {  	[spmem:s25] =	stream.linear.scatter [tilespmem:s30], [sflag:$0x3], $0x2000, $0x38;
	[tilespmem:$0x1FB00] =	vst v63  }
0x52: {  	s12 =	rddreg [dreg:$0x9]  }
0x53: {  	[spmem:s12] =	stream.linear.scatter [tilespmem:s30], [sflag:$0x3], $0x2000, $0x38;
	[tilespmem:$0x1FB00] =	vst v63  }
0x54: {  	s13 =	rddreg [dreg:$0xa]  }
0x55: {  	[spmem:s13] =	stream.linear.scatter [tilespmem:s30], [sflag:$0x3], $0x2000, $0x38;
	[tilespmem:$0x1FB00] =	vst v63  }
0x56: {  	s14 =	rddreg [dreg:$0xd]  }
0x57: {  	[spmem:s14] =	stream.linear.scatter [tilespmem:s30], [sflag:$0x3], $0x2000, $0x38;
	[tilespmem:$0x1FB00] =	vst v63  }
0x58: {  	_ = 	snop  }
0x59: {  	[spmem:s26] =	stream.linear.scatter [tilespmem:s30], [sflag:$0x3], $0x2000, $0x38;
	[tilespmem:$0x1FB00] =	vst v63  }
0x5a: {  	s15 =	rddreg [dreg:$0xe]  }
0x5b: {  	[spmem:s15] =	stream.linear.scatter [tilespmem:s30], [sflag:$0x3], $0x2000, $0x38;
	[tilespmem:$0x1FB00] =	vst v63  }
0x5c: {  	_ = 	snop  }
0x5d: {  	[spmem:s28] =	stream.linear.scatter [tilespmem:s30], [sflag:$0x3], $0x2000, $0x38;
	[tilespmem:$0x1FB00] =	vst v63  }
0x5e: {  	_ = 	snop  }
0x5f: {  	[spmem:s18] =	stream.linear.scatter [tilespmem:s30], [sflag:$0x3], $0x80, $0x38;
	[tilespmem:$0x1FB00] =	vst v63  }
0x60: {  	s17 =	rddreg [dreg:$0xf]  }
0x61: {  	[spmem:s17] =	stream.linear.scatter [tilespmem:s30], [sflag:$0x3], $0x80, $0x38;
	[tilespmem:$0x1FB00] =	vst v63  }
0x62: {  	s19 =	rddreg [dreg:$0x10]  }
0x63: {  	[spmem:s19] =	stream.linear.scatter [tilespmem:s30], [sflag:$0x3], $0x80, $0x38;
	[tilespmem:$0x1FB00] =	vst v63  }
0x64: {  	s20 =	rddreg [dreg:$0x11]  }
0x65: {  	[spmem:s20] =	stream.linear.scatter [tilespmem:s30], [sflag:$0x3], $0x80, $0x38;
	[tilespmem:$0x1FB00] =	vst v63  }
0x66: {  	s21 =	rddreg [dreg:$0x12]  }
0x67: {  	[spmem:s21] =	stream.linear.scatter [tilespmem:s30], [sflag:$0x3], $0x80, $0x38;
	[tilespmem:$0x1FB00] =	vst v63  }
0x68: {  	s25 =	simm.s32 $0x0  }
0x69: {  	[tilespmem:s25], [sflag:$0x1] =	stream.linear.gather [hbm4b:s22+s25], $0x1C00, $0x38;
	[tilespmem:$0x1FB00] =	vst v63  }
0x6a: {  	s12 =	simm.s32 $0x1C00  }
0x6b: {  	[tilespmem:s12], [sflag:$0x2] =	stream.linear.gather [hbm4b:s29+s25], $0x1C00, $0x38;
	[tilespmem:$0x1FB00] =	vst v63  }
0x6c: {  	_ =	swait.ge [sflag:s0], $0x2000  }
0x6d: {  	[sflag:s0] =	ssyncset.done $0x0  }
0x6e: {  	[sflag:s0] =	ssyncadd.s32 $0xFFFFE000  }
0x6f: {  	_ =	swait.ge [sflag:s0], $0x2000  }
0x70: {  	[sflag:s0] =	ssyncset.done $0x0  }
0x71: {  	[sflag:s0] =	ssyncadd.s32 $0xFFFFE000  }
0x72: {  	_ =	swait.ge [sflag:s0], $0x2000  }
0x73: {  	[sflag:s0] =	ssyncset.done $0x0  }
0x74: {  	[sflag:s0] =	ssyncadd.s32 $0xFFFFE000  }
0x75: {  	_ =	swait.ge [sflag:s0], $0x2000  }
0x76: {  	[sflag:s0] =	ssyncset.done $0x0  }
0x77: {  	[sflag:s0] =	ssyncadd.s32 $0xFFFFE000  }
0x78: {  	_ =	swait.ge [sflag:s0], $0x2000  }
0x79: {  	[sflag:s0] =	ssyncset.done $0x0  }
0x7a: {  	[sflag:s0] =	ssyncadd.s32 $0xFFFFE000  }
0x7b: {  	_ =	swait.ge [sflag:s0], $0x2000  }
0x7c: {  	[sflag:s0] =	ssyncset.done $0x0  }
0x7d: {  	[sflag:s0] =	ssyncadd.s32 $0xFFFFE000  }
0x7e: {  	_ =	swait.ge [sflag:s0], $0x2000  }
0x7f: {  	[sflag:s0] =	ssyncset.done $0x0  }
0x80: {  	[sflag:s0] =	ssyncadd.s32 $0xFFFFE000  }
0x81: {  	_ =	swait.ge [sflag:s0], $0x2000  }
0x82: {  	[sflag:s0] =	ssyncset.done $0x0  }
0x83: {  	[sflag:s0] =	ssyncadd.s32 $0xFFFFE000  }
0x84: {  	_ =	swait.ge [sflag:s0], $0x2000  }
0x85: {  	[sflag:s0] =	ssyncset.done $0x0  }
0x86: {  	[sflag:s0] =	ssyncadd.s32 $0xFFFFE000  }
0x87: {  	_ =	swait.ge [sflag:s0], $0x2000  }
0x88: {  	[sflag:s0] =	ssyncset.done $0x0  }
0x89: {  	[sflag:s0] =	ssyncadd.s32 $0xFFFFE000  }
0x8a: {  	_ =	swait.ge [sflag:s0], $0x80  }
0x8b: {  	[sflag:s0] =	ssyncset.done $0x0  }
0x8c: {  	[sflag:s0] =	ssyncadd.s32 $0xFFFFFF80  }
0x8d: {  	_ =	swait.ge [sflag:s0], $0x80  }
0x8e: {  	[sflag:s0] =	ssyncset.done $0x0  }
0x8f: {  	[sflag:s0] =	ssyncadd.s32 $0xFFFFFF80  }
0x90: {  	_ =	swait.ge [sflag:s0], $0x80  }
0x91: {  	[sflag:s0] =	ssyncset.done $0x0  }
0x92: {  	[sflag:s0] =	ssyncadd.s32 $0xFFFFFF80  }
0x93: {  	_ =	swait.ge [sflag:s0], $0x80  }
0x94: {  	[sflag:s0] =	ssyncset.done $0x0  }
0x95: {  	[sflag:s0] =	ssyncadd.s32 $0xFFFFFF80  }
0x96: {  	_ =	swait.ge [sflag:s0], $0x80  }
0x97: {  	[sflag:s0] =	ssyncset.done $0x0  }
0x98: {  	[sflag:s0] =	ssyncadd.s32 $0xFFFFFF80  }
0x99: {  	_ =	swait.ge [sflag:s2], $0x1C00  }
0x9a: {  	[sflag:s2] =	ssyncset.done $0x0  }
0x9b: {  	[sflag:s2] =	ssyncadd.s32 $0xFFFFE400  }
0x9c: {  	_ =	swait.ge [sflag:s31], $0x1C00  }
.Ltmp3:
0x9d: {  	[sflag:s31] =	ssyncset.done $0x0;
	(pc) =	sbr.rel @p0 .LBB2_13-.Ltmp3, $3  }
0x9e: {  	[sflag:s31] =	ssyncadd.s32 $0xFFFFE400  }
0x9f: {  	[tilespmem:s30], [sflag:$0x1] =	stream.indirect.gather [hbm4b:s1+s5], $0x80, s23, s5, $0xb8;
	[tilespmem:$0x1FB00] =	vst v63  }
0xa0: {  	[bflag:$0x0] =	sbarrier.arrive $0xFFFF;
	_ =	sdelay $0x1  }
0xa1: {  	p2 =	por $0x1, $0x1  }
.Ltmp4:
0xa2: {  	s15 =	simm.s32 $0x1;
	s12 =	simm.s32 $0x0;
	(pc) =	sbr.rel @!p2 .LBB2_5-.Ltmp4, $4  }
0xa3: {  	s10 =	simm.s32 $0x3800;
	s17 =	sadd.s32 $0x1, s16;
	s13 =	simm.s32 $0x2  }
0xa4: {  	_ =	swait.ge [sflag:s15], $0x3E80;
	p1 =	slt.s32 s17, $0x37;
	s12 =	sxor.u32 $0x1, s12  }
0xa5: {  	[sflag:s15] =	ssyncset.done $0x0;
	s17 =	simm.s32 @!p1 $0x37;
	s21 =	sshll.u32 s12, $0xE  }
0xa6: {  	s20 =	sadd.s32 $0x1, s12;
	p1 =	por $0x0, $0x0;
	[sflag:s15] =	ssyncadd.s32 $0xFFFFC180  }
0xa7: {  	s12 =	sand.u32 $0x3FFFC000, s21;
	s14 =	sshll.u32 s17, $0x9  }
0xa8: {  	s17 =	sadd.s32 $0x2, s16;
	s12 =	sor.u32 $0x3800, s12;
	s14 =	sshra.s32 s14, $0x2  }
0xa9: {  	[tilespmem:s12], [sflag:s20] =	stream.indirect.gather [hbm4b:s1+s5], $0x80, s14, s5, $0xb8;
	[tilespmem:$0x1FB00] =	vst v63  }
0xaa: {  	p2 =	por $0x1, $0x1;
	s25 =	sadd.s32 $0x80, s11;
	p1 =	slt.s32 s17, $0x37  }
0xab: {  	[spmem:s4] =	stream.indirect.scatter.add.f32 [tilespmem:s7], [sflag:$0x3], $0x1, s11, s5, $0xb8;
	[tilespmem:$0x1FB00] =	vst v63  }
.Ltmp5:
0xac: {  	s12 =	simm.s32 $0x3;
	s14 =	sand.u32 $0x1, s15;
	(pc) =	sbr.rel @!p2 .LBB2_7-.Ltmp5, $4  }
0xad: {  	[spmem:s3] =	stream.indirect.scatter.add.f32 [tilespmem:s10], [sflag:$0x4], $0x80, s11, s5, $0xb8;
	[tilespmem:$0x1FB00] =	vst v63  }
0xae: {  	s17 =	simm.s32 @!p1 $0x37;
	p1 =	por $0x1, $0x1;
	_ =	swait.ge [sflag:s8], $0x3E80  }
0xaf: {  	s19 =	sadd.s32 $0x1, s14;
	s15 =	sxor.u32 $0x1, s14;
	[sflag:s8] =	ssyncset.done $0x0  }
0xb0: {  	s21 =	sshll.u32 s15, $0xE;
	s20 =	sadd.s32 $0x1, s15;
	[sflag:s8] =	ssyncadd.s32 $0xFFFFC180  }
.LBB2_8:
0xb1: {  	s15 =	sand.u32 $0x3FFFC000, s21;
	s17 =	sshll.u32 s17, $0x9  }
0xb2: {  	_ =	swait.ge [sflag:s19], $0x3E80;
	s21 =	smov.u32 s13;
	s13 =	smov.u32 s12  }
0xb3: {  	s15 =	sor.u32 $0x3800, s15;
	s17 =	sshra.s32 s17, $0x2;
	[sflag:s19] =	ssyncset.done $0x0  }
0xb4: {  	s12 =	sadd.s32 $0x1, s12;
	s14 =	sshll.u32 s14, $0xE;
	[sflag:s19] =	ssyncadd.s32 $0xFFFFC180  }
0xb5: {  	[tilespmem:s15], [sflag:s20] =	stream.indirect.gather [hbm4b:s1+s5], $0x80, s17, s5, $0xb8;
	[tilespmem:$0x1FB00] =	vst v63  }
0xb6: {  	p2 =	slt.s32 s12, $0x28;
	s14 =	sor.u32 $0x3800, s14  }
0xb7: {  	[spmem:s4] =	stream.indirect.scatter.add.f32 [tilespmem:s7], [sflag:$0x3], $0x1, s25, s5, $0xb8;
	[tilespmem:$0x1FB00] =	vst v63  }
0xb8: {  	_ = 	snop  }
0xb9: {  	[spmem:s3] =	stream.indirect.scatter.add.f32 [tilespmem:s14], [sflag:$0x4], $0x80, s25, s5, $0xb8;
	[tilespmem:$0x1FB00] =	vst v63  }
.Ltmp6:
0xba: {  	_ = 	snop;
	(pc) =	sbr.rel @p2 .LBB2_8-.Ltmp6, $4  }
0xbb: {  	s14 =	sand.u32 $0x1, s21;
	s25 =	sadd.s32 $0x80, s25;
	_ =	swait.ge [sflag:s8], $0x3E80  }
0xbc: {  	s17 =	sadd.s32 s13, s16;
	s19 =	sadd.s32 $0x1, s14;
	[sflag:s8] =	ssyncset.done $0x0  }
0xbd: {  	p3 =	slt.s32 s17, $0x37;
	s15 =	sxor.u32 $0x1, s14;
	[sflag:s8] =	ssyncadd.s32 $0xFFFFC180  }
0xbe: {  	s17 =	simm.s32 @!p3 $0x37;
	s21 =	sshll.u32 s15, $0xE;
	s20 =	sadd.s32 $0x1, s15  }
0xbf: {  	s15 =	smov.u32 s13  }
.LBB2_10:
0xc0: {  	s12 =	sand.u32 $0x3FFFC000, s21;
	_ =	swait.ge @p1 [sflag:s19], $0x3E80  }
0xc1: {  	s13 =	sshll.u32 s17, $0x9;
	s14 =	sshll.u32 @p1 s14, $0xE;
	[sflag:s19] =	ssyncset.done @p1 $0x0  }
0xc2: {  	s12 =	sor.u32 $0x3800, s12;
	s13 =	sshra.s32 s13, $0x2;
	[sflag:s19] =	ssyncadd.s32 @p1 $0xFFFFC180  }
0xc3: {  	[tilespmem:s12], [sflag:s20] =	stream.indirect.gather [hbm4b:s1+s5], $0x80, s13, s5, $0xb8;
	[tilespmem:$0x1FB00] =	vst v63  }
0xc4: {  	s12 =	sor.u32 @p1 $0x3800, s14  }
0xc5: {  	[spmem:s4] =	stream.indirect.scatter.add.f32 [tilespmem:s7], [sflag:$0x3], $0x1, s25, s5, $0xb8;
	[tilespmem:$0x1FB00] =	vst v63  }
0xc6: {  	s10 =	smov.u32 @p1 s12  }
0xc7: {  	[spmem:s3] =	stream.indirect.scatter.add.f32 [tilespmem:s10], [sflag:$0x4], $0x80, s25, s5, $0xb8;
	[tilespmem:$0x1FB00] =	vst v63  }
0xc8: {  	_ =	swait.ge [sflag:s8], $0x3E80  }
0xc9: {  	s17 =	sand.u32 $0x1, s15;
	[sflag:s8] =	ssyncset.done $0x0  }
0xca: {  	s19 =	sadd.s32 $0x1, s17;
	[sflag:s8] =	ssyncadd.s32 $0xFFFFC180  }
0xcb: {  	_ =	swait.ge [sflag:s19], $0x3E80  }
0xcc: {  	[sflag:s19] =	ssyncset.done $0x0  }
0xcd: {  	s21 =	sadd.s32 $0x80, s25;
	s20 =	sshll.u32 s17, $0xE;
	[sflag:s19] =	ssyncadd.s32 $0xFFFFC180  }
0xce: {  	[spmem:s4] =	stream.indirect.scatter.add.f32 [tilespmem:s7], [sflag:$0x3], $0x1, s21, s5, $0xb8;
	[tilespmem:$0x1FB00] =	vst v63  }
0xcf: {  	p1 =	por $0x1, $0x1;
	s25 =	sor.u32 $0x3800, s20  }
0xd0: {  	[spmem:s3] =	stream.indirect.scatter.add.f32 [tilespmem:s25], [sflag:$0x4], $0x80, s21, s5, $0xb8;
	[tilespmem:$0x1FB00] =	vst v63  }
.Ltmp7:
0xd1: {  	_ =	swait.ge [sflag:s8], $0x3E80;
	(pc) =	sbr.rel @!p1 .LBB2_12-.Ltmp7, $4  }
0xd2: {  	[sflag:s8] =	ssyncset.done $0x0  }
0xd3: {  	[sflag:s8] =	ssyncadd.s32 $0xFFFFC180  }
0xd4: {  	_ =	swait.ge [sflag:s0], $0x7D  }
0xd5: {  	s10 =	simm.s32 $0x1;
	[sflag:s0] =	ssyncset.done $0x0  }
.LBB2_11:
0xd6: {  	s10 =	sadd.s32 $0x1, s10  }
0xd7: {  	[sflag:s0] =	ssyncadd.s32 $0xFFFFFF83;
	p1 =	slt.s32 s10, $0x28  }
.Ltmp8:
0xd8: {  	(pc) =	sbr.rel @p1 .LBB2_11-.Ltmp8, $3  }
0xd9: {  	_ =	sdelay $0x1  }
0xda: {  	_ =	swait.ge [sflag:s0], $0x7D  }
0xdb: {  	[sflag:s0] =	ssyncset.done $0x0  }
.Ltmp9:
0xdc: {  	_ = 	snop;
	(pc) =	sbr.rel .LBB2_12-.Ltmp9, $1  }
0xdd: {  	_ =	sdelay $0x3  }
.LBB2_5:
.Ltmp10:
0xde: {  	(pc) =	sbr.rel .LBB2_10-.Ltmp10, $2  }
0xdf: {  	_ =	sdelay $0x2  }
0xe0: {  	s25 =	smov.u32 s11  }
.LBB2_7:
.Ltmp11:
0xe1: {  	(pc) =	sbr.rel .LBB2_10-.Ltmp11, $2  }
0xe2: {  	_ =	sdelay $0x2  }
0xe3: {  	s15 =	simm.s32 $0x2  }
.LBB2_14:
0xe4: {  	_ =	sfence.sel $0x180000  }
0xe5: {  	[bflag:$0x0] =	sbarrier.arrive $0xFFFF  }
0xe6: {  	_ =	strace $0x90000047  }
0xe7: {  	s0 =	stileid.u32;
	[bflag:$0x2] =	sbarrier.arrive $0xFFFF  }
0xe8: {  	p0 =	sne.s32 s0, $0x0;
	s0 =	rddreg [dreg:$0x5]  }
0xe9: {  	s0 =	sadd.s32 @!p0 $0x100000, s0  }
0xea: {  	[sflag:s0] =	ssyncadd.tile.s32 @!p0 $0x1;
	_ =	shalt  }
.Lfunc_end2:
_tile_overlayer_lowered:
.L_overlay_start_2:
0xeb: {  	(tag) =	ssettag $0x2  }
0xec: {  	s0 =	rddreg [dreg:$0x0];
	s2 =	stileid.u32  }
0xed: {  	s1 =	rddreg [dreg:$0x1];
	p0 =	sne.s32 s2, $0x0  }
0xee: {  	s3 =	rddreg [dreg:$0x2];
	[bflag:$0x3] =	sbarrier.arrive $0xFFFF;
	s2 =	simm.s32 @!p0 $0x1C04  }
0xef: {  	[timem:s3], [sflag:s2] =	dma.local @!p0 [hbm:s0], s1  }
0xf0: {  	s0 =	simm.s32 @!p0 $0x4  }
0xf1: {  	_ =	swait.ge @!p0 [sflag:s0], s1  }
0xf2: {  	s1 =	ssub.s32 @!p0 $0x0, s1;
	[sflag:s0] =	ssyncset.done @!p0 $0x0  }
0xf3: {  	[sflag:s0] =	ssyncadd.s32 @!p0 s1  }
0xf4: {  	[bflag:$0x3] =	sbarrier.arrive $0xFFFF  }
0xf5: {  	_ =	shalt  }

</sc_bundles>
